<compile_context>
chip_gen: v7x
topology: tpu7x:2x2x1
jax: 0.10.2.dev20260603
libtpu: 0.0.44.dev20260713+nightly
codegen_flags: <defaults>
</compile_context>

<pallas_src>
import functools

import jax
import jax.numpy as jnp
from jax import lax
from jax.experimental import pallas as pl
from jax.experimental.pallas import tpu as pltpu
from jax.experimental.pallas import tpu_sc as plsc

VOCAB = 100000
MAX_LEN = 200
EMBED_DIM = 64
BATCH = 4096

_INFO = plsc.get_sparse_core_info()
NUM_CORES = _INFO.num_cores
NUM_SUBCORES = _INFO.num_subcores
NUM_WORKERS = NUM_CORES * NUM_SUBCORES

TOTAL = BATCH * MAX_LEN
PER_WORKER = TOTAL // NUM_WORKERS
SEQS_PER_WORKER = PER_WORKER // MAX_LEN
CHUNK_SEQS = 2
CHUNK_ROWS = CHUNK_SEQS * MAX_LEN
NUM_CHUNKS = SEQS_PER_WORKER // CHUNK_SEQS
LANES = 16
VECS_PER_ROW = EMBED_DIM // LANES


def _body(x_hbm, tok_hbm, pos_hbm, out_hbm,
          idx_v, pos_v, rows0, rows1, sem0, sem1):
    wid = lax.axis_index("s") * NUM_CORES + lax.axis_index("c")
    base = wid * PER_WORKER
    batch_base = wid * SEQS_PER_WORKER

    pltpu.sync_copy(x_hbm.at[pl.ds(base, PER_WORKER)], idx_v)
    pltpu.sync_copy(pos_hbm, pos_v)

    bufs = (rows0, rows1)
    sems = (sem0, sem1)

    def start_gather(c, b):
        pltpu.async_copy(
            tok_hbm.at[idx_v.at[pl.ds(c * CHUNK_ROWS, CHUNK_ROWS)]],
            bufs[b], sems[b],
        )

    def drain_gather(b):
        pltpu.make_async_copy(
            tok_hbm.at[idx_v.at[pl.ds(0, CHUNK_ROWS)]], bufs[b], sems[b]
        ).wait()

    start_gather(0, 0)
    start_gather(1, 1)

    def process(c, b):
        drain_gather(b)

        def add_body(j, carry):
            for s in range(CHUNK_SEQS):
                r = s * MAX_LEN + j
                for k in range(VECS_PER_ROW):
                    sl = pl.ds(k * LANES, LANES)
                    bufs[b][r, sl] = bufs[b][r, sl] + pos_v[j, sl]
            return carry

        lax.fori_loop(0, MAX_LEN, add_body, None)

        for s in range(CHUNK_SEQS):
            pltpu.sync_copy(
                bufs[b].at[pl.ds(s * MAX_LEN, MAX_LEN)],
                out_hbm.at[batch_base + c * CHUNK_SEQS + s],
            )

        @pl.when(c + 2 < NUM_CHUNKS)
        def _():
            start_gather(c + 2, b)

    def pair_body(g, carry):
        for b in range(2):
            process(2 * g + b, b)
        return carry

    lax.fori_loop(0, NUM_CHUNKS // 2, pair_body, None)


def kernel(x, token_table, pos_table):
    x_flat = x.reshape(-1).astype(jnp.int32)

    mesh = plsc.VectorSubcoreMesh(core_axis_name="c", subcore_axis_name="s")
    run = functools.partial(
        pl.kernel,
        out_type=jax.ShapeDtypeStruct((BATCH, MAX_LEN, EMBED_DIM),
                                      jnp.float32),
        mesh=mesh,
        scratch_types=[
            pltpu.VMEM((PER_WORKER,), jnp.int32),
            pltpu.VMEM((MAX_LEN, EMBED_DIM), jnp.float32),
            pltpu.VMEM((CHUNK_ROWS, EMBED_DIM), jnp.float32),
            pltpu.VMEM((CHUNK_ROWS, EMBED_DIM), jnp.float32),
            pltpu.SemaphoreType.DMA,
            pltpu.SemaphoreType.DMA,
        ],
        compiler_params=pltpu.CompilerParams(use_tc_tiling_on_sc=False),
    )(_body)

    return run(x_flat, token_table, pos_table)

# --- scband reference (transcript-rebuilt; emitter-appended) ---
"""Pipeline reference for scband-token-and-position-embedding-65747359367227 (READ-ONLY COPY).

The authoritative reference and input builder live on the scoring server;
editing this copy changes nothing except your own understanding.
"""

import jax, jax.numpy as jnp
import numpy as np

VOCAB = 100000
MAX_LEN = 200
EMBED_DIM = 64
BATCH = 4096


def setup_inputs(seed: int = 0) -> dict:
    key = jax.random.key(seed)
    k1, k2, k3 = jax.random.split(key, 3)
    x = jax.random.randint(k1, (BATCH, MAX_LEN), 0, VOCAB, dtype=jnp.int64 if jax.config.read('jax_enable_x64') else jnp.int32)
    token_table = jax.random.normal(k2, (VOCAB, EMBED_DIM), dtype=jnp.float32) * 0.02
    pos_table = jax.random.normal(k3, (MAX_LEN, EMBED_DIM), dtype=jnp.float32) * 0.02
    return {"x": x, "token_table": token_table, "pos_table": pos_table}


def reference(x, token_table, pos_table):
    # positions = range(seq_len); pos embedding lookup
    seq_len = x.shape[-1]
    positions = jnp.arange(seq_len)
    pos_embed = jnp.take(pos_table, positions, axis=0)  # [L, D]
    tok_embed = jnp.take(token_table, x, axis=0)        # [B, L, D]
    return tok_embed + pos_embed[None, :, :]

if __name__ == "__main__":
    import jax
    _d = setup_inputs()
    print(jax.jit(kernel)(*tuple(_d.values())))

</pallas_src>

<mosaic_0001>
#map = affine_map<(d0, d1) -> (0)>
#map1 = affine_map<(d0, d1) -> (0, 0)>
#map2 = affine_map<(d0, d1) -> (0, 0, 0)>
module attributes {stable_mosaic.version = 14 : i64} {
  func.func @_body(%arg0: i32, %arg1: i32, %arg2: memref<819200xi32, #tpu.memory_space<hbm>>, %arg3: memref<100000x64xf32, #tpu.memory_space<hbm>>, %arg4: memref<200x64xf32, #tpu.memory_space<hbm>>, %arg5: memref<4096x200x64xf32, #tpu.memory_space<hbm>>, %arg6: memref<25600xi32, #tpu.memory_space<vmem>>, %arg7: memref<200x64xf32, #tpu.memory_space<vmem>>, %arg8: memref<400x64xf32, #tpu.memory_space<vmem>>, %arg9: memref<400x64xf32, #tpu.memory_space<vmem>>, %arg10: memref<!tpu.dma_semaphore, #tpu.memory_space<semaphore_mem>>, %arg11: memref<!tpu.dma_semaphore, #tpu.memory_space<semaphore_mem>>) attributes {dimension_semantics = [#tpu.dimension_semantics<core_parallel>, #tpu.dimension_semantics<subcore_parallel>], iteration_bounds = array<i64: 2, 16>, scalar_prefetch = 0 : i64, scratch_operands = 6 : i64, tpu.core_type = #tpu.core_type<sc_vector_subcore>, window_params = [{transform_indices = #map}, {transform_indices = #map1}, {transform_indices = #map1}, {transform_indices = #map2}]} {
    %mul3A = arith.constant 2 : i32
    %mul3A_0 = arith.muli %arg1, %mul3A : i32
    %add3A = arith.addi %mul3A_0, %arg0 : i32
    %mul3A_1 = arith.constant 25600 : i32
    %mul3A_2 = arith.muli %add3A, %mul3A_1 : i32
    %mul3A_3 = arith.constant 128 : i32
    %mul3A_4 = arith.muli %add3A, %mul3A_3 : i32
    "tpu.region"() ({
      %run_scoped3A = tpu.sem_alloc : memref<!tpu.dma_semaphore, #tpu.memory_space<semaphore_mem>>
      %dma_start3A_18 = tpu.memref_slice %arg2[%mul3A_2] : memref<819200xi32, #tpu.memory_space<hbm>> -> memref<25600xi32, #tpu.memory_space<hbm>>
      %dma_start3A_19 = tpu.memref_slice %arg2[%mul3A_2] : memref<819200xi32, #tpu.memory_space<hbm>> -> memref<25600xi32, #tpu.memory_space<hbm>>
      tpu.enqueue_dma source(%dma_start3A_19 : memref<25600xi32, #tpu.memory_space<hbm>>) target(%arg6 : memref<25600xi32, #tpu.memory_space<vmem>>) target_semaphore(%run_scoped3A : memref<!tpu.dma_semaphore, #tpu.memory_space<semaphore_mem>>)
      %dma_wait3A = tpu.memref_slice %arg2[%mul3A_2] : memref<819200xi32, #tpu.memory_space<hbm>> -> memref<25600xi32, #tpu.memory_space<hbm>>
      %dma_wait3A_20 = tpu.memref_slice %arg2[%mul3A_2] : memref<819200xi32, #tpu.memory_space<hbm>> -> memref<25600xi32, #tpu.memory_space<hbm>>
      tpu.wait_dma2 semaphore(%run_scoped3A : memref<!tpu.dma_semaphore, #tpu.memory_space<semaphore_mem>>) src(%dma_wait3A_20 : memref<25600xi32, #tpu.memory_space<hbm>>) dst(%arg6 : memref<25600xi32, #tpu.memory_space<vmem>>)
      tpu.yield
    }) : () -> ()
    "tpu.region"() ({
      %run_scoped3A = tpu.sem_alloc : memref<!tpu.dma_semaphore, #tpu.memory_space<semaphore_mem>>
      tpu.enqueue_dma source(%arg4 : memref<200x64xf32, #tpu.memory_space<hbm>>) target(%arg7 : memref<200x64xf32, #tpu.memory_space<vmem>>) target_semaphore(%run_scoped3A : memref<!tpu.dma_semaphore, #tpu.memory_space<semaphore_mem>>)
      tpu.wait_dma2 semaphore(%run_scoped3A : memref<!tpu.dma_semaphore, #tpu.memory_space<semaphore_mem>>) src(%arg4 : memref<200x64xf32, #tpu.memory_space<hbm>>) dst(%arg7 : memref<200x64xf32, #tpu.memory_space<vmem>>)
      tpu.yield
    }) : () -> ()
    %dma_start3A = arith.constant 0 : i32
    %dma_start3A_5 = tpu.memref_slice %arg6[%dma_start3A] : memref<25600xi32, #tpu.memory_space<vmem>> -> memref<400xi32, #tpu.memory_space<vmem>>
    %dma_start3A_6 = arith.constant 0 : i32
    %dma_start3A_7 = arith.constant 0 : i32
    %dma_start3A_8 = tpu.memref_slice %arg3[%dma_start3A_6, %dma_start3A_7] : memref<100000x64xf32, #tpu.memory_space<hbm>> -> memref<100000x64xf32, #tpu.memory_space<hbm>>
    tpu.enqueue_indirect_dma source(%dma_start3A_8 : memref<100000x64xf32, #tpu.memory_space<hbm>>) target(%arg8 : memref<400x64xf32, #tpu.memory_space<vmem>>) offsets(%dma_start3A_5 : memref<400xi32, #tpu.memory_space<vmem>>) semaphore(%arg10 : memref<!tpu.dma_semaphore, #tpu.memory_space<semaphore_mem>>)
    %dma_start3A_9 = arith.constant 400 : i32
    %dma_start3A_10 = tpu.memref_slice %arg6[%dma_start3A_9] : memref<25600xi32, #tpu.memory_space<vmem>> -> memref<400xi32, #tpu.memory_space<vmem>>
    %dma_start3A_11 = arith.constant 0 : i32
    %dma_start3A_12 = arith.constant 0 : i32
    %dma_start3A_13 = tpu.memref_slice %arg3[%dma_start3A_11, %dma_start3A_12] : memref<100000x64xf32, #tpu.memory_space<hbm>> -> memref<100000x64xf32, #tpu.memory_space<hbm>>
    tpu.enqueue_indirect_dma source(%dma_start3A_13 : memref<100000x64xf32, #tpu.memory_space<hbm>>) target(%arg9 : memref<400x64xf32, #tpu.memory_space<vmem>>) offsets(%dma_start3A_10 : memref<400xi32, #tpu.memory_space<vmem>>) semaphore(%arg11 : memref<!tpu.dma_semaphore, #tpu.memory_space<semaphore_mem>>)
    %scan3A = arith.constant 0 : i32
    %scan3A_14 = arith.constant 32 : i32
    %scan3A_15 = arith.addi %scan3A, %scan3A_14 : i32
    %scan3A_16 = arith.constant 1 : i32
    scf.for %scan3A_18 = %scan3A to %scan3A_15 step %scan3A_16  : i32 {
      %mul3A_19 = arith.constant 2 : i32
      %mul3A_20 = arith.muli %mul3A_19, %scan3A_18 : i32
      %add3A_21 = arith.constant 0 : i32
      %add3A_22 = arith.addi %mul3A_20, %add3A_21 : i32
      %dma_wait3A = arith.constant 0 : i32
      %dma_wait3A_23 = tpu.memref_slice %arg6[%dma_wait3A] : memref<25600xi32, #tpu.memory_space<vmem>> -> memref<400xi32, #tpu.memory_space<vmem>>
      %dma_wait3A_24 = arith.constant 0 : i32
      %dma_wait3A_25 = arith.constant 0 : i32
      %dma_wait3A_26 = tpu.memref_slice %arg3[%dma_wait3A_24, %dma_wait3A_25] : memref<100000x64xf32, #tpu.memory_space<hbm>> -> memref<100000x64xf32, #tpu.memory_space<hbm>>
      tpu.wait_indirect_dma semaphore(%arg10 : memref<!tpu.dma_semaphore, #tpu.memory_space<semaphore_mem>>) src(%dma_wait3A_26 : memref<100000x64xf32, #tpu.memory_space<hbm>>) dst(%arg8 : memref<400x64xf32, #tpu.memory_space<vmem>>)
      %scan3A_27 = arith.constant 0 : i32
      %scan3A_28 = arith.constant 200 : i32
      %scan3A_29 = arith.addi %scan3A_27, %scan3A_28 : i32
      %scan3A_30 = arith.constant 1 : i32
      scf.for %scan3A_77 = %scan3A_27 to %scan3A_29 step %scan3A_30  : i32 {
        %add3A_78 = arith.constant 0 : i32
        %add3A_79 = arith.addi %add3A_78, %scan3A_77 : i32
        %get3A = arith.index_cast %add3A_79 : i32 to index
        %get3A_80 = arith.constant 0 : index
        %get3A_81 = tpu.vector_load %arg8[%get3A, %get3A_80] {strides = array<i32>} : memref<400x64xf32, #tpu.memory_space<vmem>>, vector<1x16xf32>,
        %get3A_82 = vector.shape_cast %get3A_81 : vector<1x16xf32> to vector<16xf32>
        %get3A_83 = arith.index_cast %scan3A_77 : i32 to index
        %get3A_84 = arith.constant 0 : index
        %get3A_85 = tpu.vector_load %arg7[%get3A_83, %get3A_84] {strides = array<i32>} : memref<200x64xf32, #tpu.memory_space<vmem>>, vector<1x16xf32>,
        %get3A_86 = vector.shape_cast %get3A_85 : vector<1x16xf32> to vector<16xf32>
        %add3A_87 = arith.addf %get3A_82, %get3A_86 : vector<16xf32>
        %swap3A = arith.index_cast %add3A_79 : i32 to index
        %swap3A_88 = arith.constant 0 : index
        %swap3A_89 = tpu.vector_load %arg8[%swap3A, %swap3A_88] {strides = array<i32>} : memref<400x64xf32, #tpu.memory_space<vmem>>, vector<1x16xf32>,
        %swap3A_90 = vector.shape_cast %swap3A_89 : vector<1x16xf32> to vector<16xf32>
        %swap3A_91 = vector.shape_cast %add3A_87 : vector<16xf32> to vector<1x16xf32>
        tpu.vector_store %arg8[%swap3A, %swap3A_88], %swap3A_91 {strides = array<i32>} : memref<400x64xf32, #tpu.memory_space<vmem>>, vector<1x16xf32>,
        %get3A_92 = arith.index_cast %add3A_79 : i32 to index
        %get3A_93 = arith.constant 16 : index
        %get3A_94 = tpu.vector_load %arg8[%get3A_92, %get3A_93] {strides = array<i32>} : memref<400x64xf32, #tpu.memory_space<vmem>>, vector<1x16xf32>,
        %get3A_95 = vector.shape_cast %get3A_94 : vector<1x16xf32> to vector<16xf32>
        %get3A_96 = arith.index_cast %scan3A_77 : i32 to index
        %get3A_97 = arith.constant 16 : index
        %get3A_98 = tpu.vector_load %arg7[%get3A_96, %get3A_97] {strides = array<i32>} : memref<200x64xf32, #tpu.memory_space<vmem>>, vector<1x16xf32>,
        %get3A_99 = vector.shape_cast %get3A_98 : vector<1x16xf32> to vector<16xf32>
        %add3A_100 = arith.addf %get3A_95, %get3A_99 : vector<16xf32>
        %swap3A_101 = arith.index_cast %add3A_79 : i32 to index
        %swap3A_102 = arith.constant 16 : index
        %swap3A_103 = tpu.vector_load %arg8[%swap3A_101, %swap3A_102] {strides = array<i32>} : memref<400x64xf32, #tpu.memory_space<vmem>>, vector<1x16xf32>,
        %swap3A_104 = vector.shape_cast %swap3A_103 : vector<1x16xf32> to vector<16xf32>
        %swap3A_105 = vector.shape_cast %add3A_100 : vector<16xf32> to vector<1x16xf32>
        tpu.vector_store %arg8[%swap3A_101, %swap3A_102], %swap3A_105 {strides = array<i32>} : memref<400x64xf32, #tpu.memory_space<vmem>>, vector<1x16xf32>,
        %get3A_106 = arith.index_cast %add3A_79 : i32 to index
        %get3A_107 = arith.constant 32 : index
        %get3A_108 = tpu.vector_load %arg8[%get3A_106, %get3A_107] {strides = array<i32>} : memref<400x64xf32, #tpu.memory_space<vmem>>, vector<1x16xf32>,
        %get3A_109 = vector.shape_cast %get3A_108 : vector<1x16xf32> to vector<16xf32>
        %get3A_110 = arith.index_cast %scan3A_77 : i32 to index
        %get3A_111 = arith.constant 32 : index
        %get3A_112 = tpu.vector_load %arg7[%get3A_110, %get3A_111] {strides = array<i32>} : memref<200x64xf32, #tpu.memory_space<vmem>>, vector<1x16xf32>,
        %get3A_113 = vector.shape_cast %get3A_112 : vector<1x16xf32> to vector<16xf32>
        %add3A_114 = arith.addf %get3A_109, %get3A_113 : vector<16xf32>
        %swap3A_115 = arith.index_cast %add3A_79 : i32 to index
        %swap3A_116 = arith.constant 32 : index
        %swap3A_117 = tpu.vector_load %arg8[%swap3A_115, %swap3A_116] {strides = array<i32>} : memref<400x64xf32, #tpu.memory_space<vmem>>, vector<1x16xf32>,
        %swap3A_118 = vector.shape_cast %swap3A_117 : vector<1x16xf32> to vector<16xf32>
        %swap3A_119 = vector.shape_cast %add3A_114 : vector<16xf32> to vector<1x16xf32>
        tpu.vector_store %arg8[%swap3A_115, %swap3A_116], %swap3A_119 {strides = array<i32>} : memref<400x64xf32, #tpu.memory_space<vmem>>, vector<1x16xf32>,
        %get3A_120 = arith.index_cast %add3A_79 : i32 to index
        %get3A_121 = arith.constant 48 : index
        %get3A_122 = tpu.vector_load %arg8[%get3A_120, %get3A_121] {strides = array<i32>} : memref<400x64xf32, #tpu.memory_space<vmem>>, vector<1x16xf32>,
        %get3A_123 = vector.shape_cast %get3A_122 : vector<1x16xf32> to vector<16xf32>
        %get3A_124 = arith.index_cast %scan3A_77 : i32 to index
        %get3A_125 = arith.constant 48 : index
        %get3A_126 = tpu.vector_load %arg7[%get3A_124, %get3A_125] {strides = array<i32>} : memref<200x64xf32, #tpu.memory_space<vmem>>, vector<1x16xf32>,
        %get3A_127 = vector.shape_cast %get3A_126 : vector<1x16xf32> to vector<16xf32>
        %add3A_128 = arith.addf %get3A_123, %get3A_127 : vector<16xf32>
        %swap3A_129 = arith.index_cast %add3A_79 : i32 to index
        %swap3A_130 = arith.constant 48 : index
        %swap3A_131 = tpu.vector_load %arg8[%swap3A_129, %swap3A_130] {strides = array<i32>} : memref<400x64xf32, #tpu.memory_space<vmem>>, vector<1x16xf32>,
        %swap3A_132 = vector.shape_cast %swap3A_131 : vector<1x16xf32> to vector<16xf32>
        %swap3A_133 = vector.shape_cast %add3A_128 : vector<16xf32> to vector<1x16xf32>
        tpu.vector_store %arg8[%swap3A_129, %swap3A_130], %swap3A_133 {strides = array<i32>} : memref<400x64xf32, #tpu.memory_space<vmem>>, vector<1x16xf32>,
        %add3A_134 = arith.constant 200 : i32
        %add3A_135 = arith.addi %add3A_134, %scan3A_77 : i32
        %get3A_136 = arith.index_cast %add3A_135 : i32 to index
        %get3A_137 = arith.constant 0 : index
        %get3A_138 = tpu.vector_load %arg8[%get3A_136, %get3A_137] {strides = array<i32>} : memref<400x64xf32, #tpu.memory_space<vmem>>, vector<1x16xf32>,
        %get3A_139 = vector.shape_cast %get3A_138 : vector<1x16xf32> to vector<16xf32>
        %get3A_140 = arith.index_cast %scan3A_77 : i32 to index
        %get3A_141 = arith.constant 0 : index
        %get3A_142 = tpu.vector_load %arg7[%get3A_140, %get3A_141] {strides = array<i32>} : memref<200x64xf32, #tpu.memory_space<vmem>>, vector<1x16xf32>,
        %get3A_143 = vector.shape_cast %get3A_142 : vector<1x16xf32> to vector<16xf32>
        %add3A_144 = arith.addf %get3A_139, %get3A_143 : vector<16xf32>
        %swap3A_145 = arith.index_cast %add3A_135 : i32 to index
        %swap3A_146 = arith.constant 0 : index
        %swap3A_147 = tpu.vector_load %arg8[%swap3A_145, %swap3A_146] {strides = array<i32>} : memref<400x64xf32, #tpu.memory_space<vmem>>, vector<1x16xf32>,
        %swap3A_148 = vector.shape_cast %swap3A_147 : vector<1x16xf32> to vector<16xf32>
        %swap3A_149 = vector.shape_cast %add3A_144 : vector<16xf32> to vector<1x16xf32>
        tpu.vector_store %arg8[%swap3A_145, %swap3A_146], %swap3A_149 {strides = array<i32>} : memref<400x64xf32, #tpu.memory_space<vmem>>, vector<1x16xf32>,
        %get3A_150 = arith.index_cast %add3A_135 : i32 to index
        %get3A_151 = arith.constant 16 : index
        %get3A_152 = tpu.vector_load %arg8[%get3A_150, %get3A_151] {strides = array<i32>} : memref<400x64xf32, #tpu.memory_space<vmem>>, vector<1x16xf32>,
        %get3A_153 = vector.shape_cast %get3A_152 : vector<1x16xf32> to vector<16xf32>
        %get3A_154 = arith.index_cast %scan3A_77 : i32 to index
        %get3A_155 = arith.constant 16 : index
        %get3A_156 = tpu.vector_load %arg7[%get3A_154, %get3A_155] {strides = array<i32>} : memref<200x64xf32, #tpu.memory_space<vmem>>, vector<1x16xf32>,
        %get3A_157 = vector.shape_cast %get3A_156 : vector<1x16xf32> to vector<16xf32>
        %add3A_158 = arith.addf %get3A_153, %get3A_157 : vector<16xf32>
        %swap3A_159 = arith.index_cast %add3A_135 : i32 to index
        %swap3A_160 = arith.constant 16 : index
        %swap3A_161 = tpu.vector_load %arg8[%swap3A_159, %swap3A_160] {strides = array<i32>} : memref<400x64xf32, #tpu.memory_space<vmem>>, vector<1x16xf32>,
        %swap3A_162 = vector.shape_cast %swap3A_161 : vector<1x16xf32> to vector<16xf32>
        %swap3A_163 = vector.shape_cast %add3A_158 : vector<16xf32> to vector<1x16xf32>
        tpu.vector_store %arg8[%swap3A_159, %swap3A_160], %swap3A_163 {strides = array<i32>} : memref<400x64xf32, #tpu.memory_space<vmem>>, vector<1x16xf32>,
        %get3A_164 = arith.index_cast %add3A_135 : i32 to index
        %get3A_165 = arith.constant 32 : index
        %get3A_166 = tpu.vector_load %arg8[%get3A_164, %get3A_165] {strides = array<i32>} : memref<400x64xf32, #tpu.memory_space<vmem>>, vector<1x16xf32>,
        %get3A_167 = vector.shape_cast %get3A_166 : vector<1x16xf32> to vector<16xf32>
        %get3A_168 = arith.index_cast %scan3A_77 : i32 to index
        %get3A_169 = arith.constant 32 : index
        %get3A_170 = tpu.vector_load %arg7[%get3A_168, %get3A_169] {strides = array<i32>} : memref<200x64xf32, #tpu.memory_space<vmem>>, vector<1x16xf32>,
        %get3A_171 = vector.shape_cast %get3A_170 : vector<1x16xf32> to vector<16xf32>
        %add3A_172 = arith.addf %get3A_167, %get3A_171 : vector<16xf32>
        %swap3A_173 = arith.index_cast %add3A_135 : i32 to index
        %swap3A_174 = arith.constant 32 : index
        %swap3A_175 = tpu.vector_load %arg8[%swap3A_173, %swap3A_174] {strides = array<i32>} : memref<400x64xf32, #tpu.memory_space<vmem>>, vector<1x16xf32>,
        %swap3A_176 = vector.shape_cast %swap3A_175 : vector<1x16xf32> to vector<16xf32>
        %swap3A_177 = vector.shape_cast %add3A_172 : vector<16xf32> to vector<1x16xf32>
        tpu.vector_store %arg8[%swap3A_173, %swap3A_174], %swap3A_177 {strides = array<i32>} : memref<400x64xf32, #tpu.memory_space<vmem>>, vector<1x16xf32>,
        %get3A_178 = arith.index_cast %add3A_135 : i32 to index
        %get3A_179 = arith.constant 48 : index
        %get3A_180 = tpu.vector_load %arg8[%get3A_178, %get3A_179] {strides = array<i32>} : memref<400x64xf32, #tpu.memory_space<vmem>>, vector<1x16xf32>,
        %get3A_181 = vector.shape_cast %get3A_180 : vector<1x16xf32> to vector<16xf32>
        %get3A_182 = arith.index_cast %scan3A_77 : i32 to index
        %get3A_183 = arith.constant 48 : index
        %get3A_184 = tpu.vector_load %arg7[%get3A_182, %get3A_183] {strides = array<i32>} : memref<200x64xf32, #tpu.memory_space<vmem>>, vector<1x16xf32>,
        %get3A_185 = vector.shape_cast %get3A_184 : vector<1x16xf32> to vector<16xf32>
        %add3A_186 = arith.addf %get3A_181, %get3A_185 : vector<16xf32>
        %swap3A_187 = arith.index_cast %add3A_135 : i32 to index
        %swap3A_188 = arith.constant 48 : index
        %swap3A_189 = tpu.vector_load %arg8[%swap3A_187, %swap3A_188] {strides = array<i32>} : memref<400x64xf32, #tpu.memory_space<vmem>>, vector<1x16xf32>,
        %swap3A_190 = vector.shape_cast %swap3A_189 : vector<1x16xf32> to vector<16xf32>
        %swap3A_191 = vector.shape_cast %add3A_186 : vector<16xf32> to vector<1x16xf32>
        tpu.vector_store %arg8[%swap3A_187, %swap3A_188], %swap3A_191 {strides = array<i32>} : memref<400x64xf32, #tpu.memory_space<vmem>>, vector<1x16xf32>,
      }
      %scan3A_31 = arith.constant 200 : i32
      %mul3A_32 = arith.constant 2 : i32
      %mul3A_33 = arith.muli %add3A_22, %mul3A_32 : i32
      %add3A_34 = arith.addi %mul3A_4, %mul3A_33 : i32
      %add3A_35 = arith.constant 0 : i32
      %add3A_36 = arith.addi %add3A_34, %add3A_35 : i32
      "tpu.region"() ({
        %run_scoped3A = tpu.sem_alloc : memref<!tpu.dma_semaphore, #tpu.memory_space<semaphore_mem>>
        %dma_start3A_77 = arith.constant 0 : i32
        %dma_start3A_78 = arith.constant 0 : i32
        %dma_start3A_79 = tpu.memref_slice %arg8[%dma_start3A_77, %dma_start3A_78] : memref<400x64xf32, #tpu.memory_space<vmem>> -> memref<200x64xf32, #tpu.memory_space<vmem>>
        %dma_start3A_80 = arith.constant 0 : i32
        %dma_start3A_81 = arith.constant 0 : i32
        %dma_start3A_82 = tpu.memref_slice %arg5[%add3A_36, %dma_start3A_80, %dma_start3A_81] : memref<4096x200x64xf32, #tpu.memory_space<hbm>> -> memref<1x200x64xf32, #tpu.memory_space<hbm>>
        %dma_start3A_83 = tpu.memref_squeeze %dma_start3A_82 : memref<1x200x64xf32, #tpu.memory_space<hbm>> -> memref<200x64xf32, #tpu.memory_space<hbm>>
        %dma_start3A_84 = arith.constant 0 : i32
        %dma_start3A_85 = arith.constant 0 : i32
        %dma_start3A_86 = tpu.memref_slice %arg5[%add3A_36, %dma_start3A_84, %dma_start3A_85] : memref<4096x200x64xf32, #tpu.memory_space<hbm>> -> memref<1x200x64xf32, #tpu.memory_space<hbm>>
        %dma_start3A_87 = tpu.memref_squeeze %dma_start3A_86 : memref<1x200x64xf32, #tpu.memory_space<hbm>> -> memref<200x64xf32, #tpu.memory_space<hbm>>
        %dma_start3A_88 = arith.constant 0 : i32
        %dma_start3A_89 = arith.constant 0 : i32
        %dma_start3A_90 = tpu.memref_slice %arg8[%dma_start3A_88, %dma_start3A_89] : memref<400x64xf32, #tpu.memory_space<vmem>> -> memref<200x64xf32, #tpu.memory_space<vmem>>
        tpu.enqueue_dma source(%dma_start3A_90 : memref<200x64xf32, #tpu.memory_space<vmem>>) target(%dma_start3A_87 : memref<200x64xf32, #tpu.memory_space<hbm>>) target_semaphore(%run_scoped3A : memref<!tpu.dma_semaphore, #tpu.memory_space<semaphore_mem>>)
        %dma_wait3A_91 = arith.constant 0 : i32
        %dma_wait3A_92 = arith.constant 0 : i32
        %dma_wait3A_93 = tpu.memref_slice %arg8[%dma_wait3A_91, %dma_wait3A_92] : memref<400x64xf32, #tpu.memory_space<vmem>> -> memref<200x64xf32, #tpu.memory_space<vmem>>
        %dma_wait3A_94 = arith.constant 0 : i32
        %dma_wait3A_95 = arith.constant 0 : i32
        %dma_wait3A_96 = tpu.memref_slice %arg5[%add3A_36, %dma_wait3A_94, %dma_wait3A_95] : memref<4096x200x64xf32, #tpu.memory_space<hbm>> -> memref<1x200x64xf32, #tpu.memory_space<hbm>>
        %dma_wait3A_97 = tpu.memref_squeeze %dma_wait3A_96 : memref<1x200x64xf32, #tpu.memory_space<hbm>> -> memref<200x64xf32, #tpu.memory_space<hbm>>
        %dma_wait3A_98 = arith.constant 0 : i32
        %dma_wait3A_99 = arith.constant 0 : i32
        %dma_wait3A_100 = tpu.memref_slice %arg5[%add3A_36, %dma_wait3A_98, %dma_wait3A_99] : memref<4096x200x64xf32, #tpu.memory_space<hbm>> -> memref<1x200x64xf32, #tpu.memory_space<hbm>>
        %dma_wait3A_101 = tpu.memref_squeeze %dma_wait3A_100 : memref<1x200x64xf32, #tpu.memory_space<hbm>> -> memref<200x64xf32, #tpu.memory_space<hbm>>
        %dma_wait3A_102 = arith.constant 0 : i32
        %dma_wait3A_103 = arith.constant 0 : i32
        %dma_wait3A_104 = tpu.memref_slice %arg8[%dma_wait3A_102, %dma_wait3A_103] : memref<400x64xf32, #tpu.memory_space<vmem>> -> memref<200x64xf32, #tpu.memory_space<vmem>>
        tpu.wait_dma2 semaphore(%run_scoped3A : memref<!tpu.dma_semaphore, #tpu.memory_space<semaphore_mem>>) src(%dma_wait3A_104 : memref<200x64xf32, #tpu.memory_space<vmem>>) dst(%dma_wait3A_101 : memref<200x64xf32, #tpu.memory_space<hbm>>)
        tpu.yield
      }) : () -> ()
      %mul3A_37 = arith.constant 2 : i32
      %mul3A_38 = arith.muli %add3A_22, %mul3A_37 : i32
      %add3A_39 = arith.addi %mul3A_4, %mul3A_38 : i32
      %add3A_40 = arith.constant 1 : i32
      %add3A_41 = arith.addi %add3A_39, %add3A_40 : i32
      "tpu.region"() ({
        %run_scoped3A = tpu.sem_alloc : memref<!tpu.dma_semaphore, #tpu.memory_space<semaphore_mem>>
        %dma_start3A_77 = arith.constant 200 : i32
        %dma_start3A_78 = arith.constant 0 : i32
        %dma_start3A_79 = tpu.memref_slice %arg8[%dma_start3A_77, %dma_start3A_78] : memref<400x64xf32, #tpu.memory_space<vmem>> -> memref<200x64xf32, #tpu.memory_space<vmem>>
        %dma_start3A_80 = arith.constant 0 : i32
        %dma_start3A_81 = arith.constant 0 : i32
        %dma_start3A_82 = tpu.memref_slice %arg5[%add3A_41, %dma_start3A_80, %dma_start3A_81] : memref<4096x200x64xf32, #tpu.memory_space<hbm>> -> memref<1x200x64xf32, #tpu.memory_space<hbm>>
        %dma_start3A_83 = tpu.memref_squeeze %dma_start3A_82 : memref<1x200x64xf32, #tpu.memory_space<hbm>> -> memref<200x64xf32, #tpu.memory_space<hbm>>
        %dma_start3A_84 = arith.constant 0 : i32
        %dma_start3A_85 = arith.constant 0 : i32
        %dma_start3A_86 = tpu.memref_slice %arg5[%add3A_41, %dma_start3A_84, %dma_start3A_85] : memref<4096x200x64xf32, #tpu.memory_space<hbm>> -> memref<1x200x64xf32, #tpu.memory_space<hbm>>
        %dma_start3A_87 = tpu.memref_squeeze %dma_start3A_86 : memref<1x200x64xf32, #tpu.memory_space<hbm>> -> memref<200x64xf32, #tpu.memory_space<hbm>>
        %dma_start3A_88 = arith.constant 200 : i32
        %dma_start3A_89 = arith.constant 0 : i32
        %dma_start3A_90 = tpu.memref_slice %arg8[%dma_start3A_88, %dma_start3A_89] : memref<400x64xf32, #tpu.memory_space<vmem>> -> memref<200x64xf32, #tpu.memory_space<vmem>>
        tpu.enqueue_dma source(%dma_start3A_90 : memref<200x64xf32, #tpu.memory_space<vmem>>) target(%dma_start3A_87 : memref<200x64xf32, #tpu.memory_space<hbm>>) target_semaphore(%run_scoped3A : memref<!tpu.dma_semaphore, #tpu.memory_space<semaphore_mem>>)
        %dma_wait3A_91 = arith.constant 200 : i32
        %dma_wait3A_92 = arith.constant 0 : i32
        %dma_wait3A_93 = tpu.memref_slice %arg8[%dma_wait3A_91, %dma_wait3A_92] : memref<400x64xf32, #tpu.memory_space<vmem>> -> memref<200x64xf32, #tpu.memory_space<vmem>>
        %dma_wait3A_94 = arith.constant 0 : i32
        %dma_wait3A_95 = arith.constant 0 : i32
        %dma_wait3A_96 = tpu.memref_slice %arg5[%add3A_41, %dma_wait3A_94, %dma_wait3A_95] : memref<4096x200x64xf32, #tpu.memory_space<hbm>> -> memref<1x200x64xf32, #tpu.memory_space<hbm>>
        %dma_wait3A_97 = tpu.memref_squeeze %dma_wait3A_96 : memref<1x200x64xf32, #tpu.memory_space<hbm>> -> memref<200x64xf32, #tpu.memory_space<hbm>>
        %dma_wait3A_98 = arith.constant 0 : i32
        %dma_wait3A_99 = arith.constant 0 : i32
        %dma_wait3A_100 = tpu.memref_slice %arg5[%add3A_41, %dma_wait3A_98, %dma_wait3A_99] : memref<4096x200x64xf32, #tpu.memory_space<hbm>> -> memref<1x200x64xf32, #tpu.memory_space<hbm>>
        %dma_wait3A_101 = tpu.memref_squeeze %dma_wait3A_100 : memref<1x200x64xf32, #tpu.memory_space<hbm>> -> memref<200x64xf32, #tpu.memory_space<hbm>>
        %dma_wait3A_102 = arith.constant 200 : i32
        %dma_wait3A_103 = arith.constant 0 : i32
        %dma_wait3A_104 = tpu.memref_slice %arg8[%dma_wait3A_102, %dma_wait3A_103] : memref<400x64xf32, #tpu.memory_space<vmem>> -> memref<200x64xf32, #tpu.memory_space<vmem>>
        tpu.wait_dma2 semaphore(%run_scoped3A : memref<!tpu.dma_semaphore, #tpu.memory_space<semaphore_mem>>) src(%dma_wait3A_104 : memref<200x64xf32, #tpu.memory_space<vmem>>) dst(%dma_wait3A_101 : memref<200x64xf32, #tpu.memory_space<hbm>>)
        tpu.yield
      }) : () -> ()
      %add3A_42 = arith.constant 2 : i32
      %add3A_43 = arith.addi %add3A_22, %add3A_42 : i32
      %lt3A = arith.constant 64 : i32
      %lt3A_44 = arith.cmpi slt, %add3A_43, %lt3A : i32
      %convert_element_type3A = arith.extui %lt3A_44 : i1 to i32
      %cond3A = arith.constant 0 : i32
      %cond3A_45 = arith.cmpi ne, %convert_element_type3A, %cond3A : i32
      scf.if %cond3A_45 {
        %add3A_77 = arith.constant 2 : i32
        %add3A_78 = arith.addi %add3A_22, %add3A_77 : i32
        %mul3A_79 = arith.constant 400 : i32
        %mul3A_80 = arith.muli %add3A_78, %mul3A_79 : i32
        %dma_start3A_81 = tpu.memref_slice %arg6[%mul3A_80] : memref<25600xi32, #tpu.memory_space<vmem>> -> memref<400xi32, #tpu.memory_space<vmem>>
        %dma_start3A_82 = arith.constant 0 : i32
        %dma_start3A_83 = arith.constant 0 : i32
        %dma_start3A_84 = tpu.memref_slice %arg3[%dma_start3A_82, %dma_start3A_83] : memref<100000x64xf32, #tpu.memory_space<hbm>> -> memref<100000x64xf32, #tpu.memory_space<hbm>>
        tpu.enqueue_indirect_dma source(%dma_start3A_84 : memref<100000x64xf32, #tpu.memory_space<hbm>>) target(%arg8 : memref<400x64xf32, #tpu.memory_space<vmem>>) offsets(%dma_start3A_81 : memref<400xi32, #tpu.memory_space<vmem>>) semaphore(%arg10 : memref<!tpu.dma_semaphore, #tpu.memory_space<semaphore_mem>>)
      } else {
      }
      %mul3A_46 = arith.constant 2 : i32
      %mul3A_47 = arith.muli %mul3A_46, %scan3A_18 : i32
      %add3A_48 = arith.constant 1 : i32
      %add3A_49 = arith.addi %mul3A_47, %add3A_48 : i32
      %dma_wait3A_50 = arith.constant 0 : i32
      %dma_wait3A_51 = tpu.memref_slice %arg6[%dma_wait3A_50] : memref<25600xi32, #tpu.memory_space<vmem>> -> memref<400xi32, #tpu.memory_space<vmem>>
      %dma_wait3A_52 = arith.constant 0 : i32
      %dma_wait3A_53 = arith.constant 0 : i32
      %dma_wait3A_54 = tpu.memref_slice %arg3[%dma_wait3A_52, %dma_wait3A_53] : memref<100000x64xf32, #tpu.memory_space<hbm>> -> memref<100000x64xf32, #tpu.memory_space<hbm>>
      tpu.wait_indirect_dma semaphore(%arg11 : memref<!tpu.dma_semaphore, #tpu.memory_space<semaphore_mem>>) src(%dma_wait3A_54 : memref<100000x64xf32, #tpu.memory_space<hbm>>) dst(%arg9 : memref<400x64xf32, #tpu.memory_space<vmem>>)
      %scan3A_55 = arith.constant 0 : i32
      %scan3A_56 = arith.constant 200 : i32
      %scan3A_57 = arith.addi %scan3A_55, %scan3A_56 : i32
      %scan3A_58 = arith.constant 1 : i32
      scf.for %scan3A_77 = %scan3A_55 to %scan3A_57 step %scan3A_58  : i32 {
        %add3A_78 = arith.constant 0 : i32
        %add3A_79 = arith.addi %add3A_78, %scan3A_77 : i32
        %get3A = arith.index_cast %add3A_79 : i32 to index
        %get3A_80 = arith.constant 0 : index
        %get3A_81 = tpu.vector_load %arg9[%get3A, %get3A_80] {strides = array<i32>} : memref<400x64xf32, #tpu.memory_space<vmem>>, vector<1x16xf32>,
        %get3A_82 = vector.shape_cast %get3A_81 : vector<1x16xf32> to vector<16xf32>
        %get3A_83 = arith.index_cast %scan3A_77 : i32 to index
        %get3A_84 = arith.constant 0 : index
        %get3A_85 = tpu.vector_load %arg7[%get3A_83, %get3A_84] {strides = array<i32>} : memref<200x64xf32, #tpu.memory_space<vmem>>, vector<1x16xf32>,
        %get3A_86 = vector.shape_cast %get3A_85 : vector<1x16xf32> to vector<16xf32>
        %add3A_87 = arith.addf %get3A_82, %get3A_86 : vector<16xf32>
        %swap3A = arith.index_cast %add3A_79 : i32 to index
        %swap3A_88 = arith.constant 0 : index
        %swap3A_89 = tpu.vector_load %arg9[%swap3A, %swap3A_88] {strides = array<i32>} : memref<400x64xf32, #tpu.memory_space<vmem>>, vector<1x16xf32>,
        %swap3A_90 = vector.shape_cast %swap3A_89 : vector<1x16xf32> to vector<16xf32>
        %swap3A_91 = vector.shape_cast %add3A_87 : vector<16xf32> to vector<1x16xf32>
        tpu.vector_store %arg9[%swap3A, %swap3A_88], %swap3A_91 {strides = array<i32>} : memref<400x64xf32, #tpu.memory_space<vmem>>, vector<1x16xf32>,
        %get3A_92 = arith.index_cast %add3A_79 : i32 to index
        %get3A_93 = arith.constant 16 : index
        %get3A_94 = tpu.vector_load %arg9[%get3A_92, %get3A_93] {strides = array<i32>} : memref<400x64xf32, #tpu.memory_space<vmem>>, vector<1x16xf32>,
        %get3A_95 = vector.shape_cast %get3A_94 : vector<1x16xf32> to vector<16xf32>
        %get3A_96 = arith.index_cast %scan3A_77 : i32 to index
        %get3A_97 = arith.constant 16 : index
        %get3A_98 = tpu.vector_load %arg7[%get3A_96, %get3A_97] {strides = array<i32>} : memref<200x64xf32, #tpu.memory_space<vmem>>, vector<1x16xf32>,
        %get3A_99 = vector.shape_cast %get3A_98 : vector<1x16xf32> to vector<16xf32>
        %add3A_100 = arith.addf %get3A_95, %get3A_99 : vector<16xf32>
        %swap3A_101 = arith.index_cast %add3A_79 : i32 to index
        %swap3A_102 = arith.constant 16 : index
        %swap3A_103 = tpu.vector_load %arg9[%swap3A_101, %swap3A_102] {strides = array<i32>} : memref<400x64xf32, #tpu.memory_space<vmem>>, vector<1x16xf32>,
        %swap3A_104 = vector.shape_cast %swap3A_103 : vector<1x16xf32> to vector<16xf32>
        %swap3A_105 = vector.shape_cast %add3A_100 : vector<16xf32> to vector<1x16xf32>
        tpu.vector_store %arg9[%swap3A_101, %swap3A_102], %swap3A_105 {strides = array<i32>} : memref<400x64xf32, #tpu.memory_space<vmem>>, vector<1x16xf32>,
        %get3A_106 = arith.index_cast %add3A_79 : i32 to index
        %get3A_107 = arith.constant 32 : index
        %get3A_108 = tpu.vector_load %arg9[%get3A_106, %get3A_107] {strides = array<i32>} : memref<400x64xf32, #tpu.memory_space<vmem>>, vector<1x16xf32>,
        %get3A_109 = vector.shape_cast %get3A_108 : vector<1x16xf32> to vector<16xf32>
        %get3A_110 = arith.index_cast %scan3A_77 : i32 to index
        %get3A_111 = arith.constant 32 : index
        %get3A_112 = tpu.vector_load %arg7[%get3A_110, %get3A_111] {strides = array<i32>} : memref<200x64xf32, #tpu.memory_space<vmem>>, vector<1x16xf32>,
        %get3A_113 = vector.shape_cast %get3A_112 : vector<1x16xf32> to vector<16xf32>
        %add3A_114 = arith.addf %get3A_109, %get3A_113 : vector<16xf32>
        %swap3A_115 = arith.index_cast %add3A_79 : i32 to index
        %swap3A_116 = arith.constant 32 : index
        %swap3A_117 = tpu.vector_load %arg9[%swap3A_115, %swap3A_116] {strides = array<i32>} : memref<400x64xf32, #tpu.memory_space<vmem>>, vector<1x16xf32>,
        %swap3A_118 = vector.shape_cast %swap3A_117 : vector<1x16xf32> to vector<16xf32>
        %swap3A_119 = vector.shape_cast %add3A_114 : vector<16xf32> to vector<1x16xf32>
        tpu.vector_store %arg9[%swap3A_115, %swap3A_116], %swap3A_119 {strides = array<i32>} : memref<400x64xf32, #tpu.memory_space<vmem>>, vector<1x16xf32>,
        %get3A_120 = arith.index_cast %add3A_79 : i32 to index
        %get3A_121 = arith.constant 48 : index
        %get3A_122 = tpu.vector_load %arg9[%get3A_120, %get3A_121] {strides = array<i32>} : memref<400x64xf32, #tpu.memory_space<vmem>>, vector<1x16xf32>,
        %get3A_123 = vector.shape_cast %get3A_122 : vector<1x16xf32> to vector<16xf32>
        %get3A_124 = arith.index_cast %scan3A_77 : i32 to index
        %get3A_125 = arith.constant 48 : index
        %get3A_126 = tpu.vector_load %arg7[%get3A_124, %get3A_125] {strides = array<i32>} : memref<200x64xf32, #tpu.memory_space<vmem>>, vector<1x16xf32>,
        %get3A_127 = vector.shape_cast %get3A_126 : vector<1x16xf32> to vector<16xf32>
        %add3A_128 = arith.addf %get3A_123, %get3A_127 : vector<16xf32>
        %swap3A_129 = arith.index_cast %add3A_79 : i32 to index
        %swap3A_130 = arith.constant 48 : index
        %swap3A_131 = tpu.vector_load %arg9[%swap3A_129, %swap3A_130] {strides = array<i32>} : memref<400x64xf32, #tpu.memory_space<vmem>>, vector<1x16xf32>,
        %swap3A_132 = vector.shape_cast %swap3A_131 : vector<1x16xf32> to vector<16xf32>
        %swap3A_133 = vector.shape_cast %add3A_128 : vector<16xf32> to vector<1x16xf32>
        tpu.vector_store %arg9[%swap3A_129, %swap3A_130], %swap3A_133 {strides = array<i32>} : memref<400x64xf32, #tpu.memory_space<vmem>>, vector<1x16xf32>,
        %add3A_134 = arith.constant 200 : i32
        %add3A_135 = arith.addi %add3A_134, %scan3A_77 : i32
        %get3A_136 = arith.index_cast %add3A_135 : i32 to index
        %get3A_137 = arith.constant 0 : index
        %get3A_138 = tpu.vector_load %arg9[%get3A_136, %get3A_137] {strides = array<i32>} : memref<400x64xf32, #tpu.memory_space<vmem>>, vector<1x16xf32>,
        %get3A_139 = vector.shape_cast %get3A_138 : vector<1x16xf32> to vector<16xf32>
        %get3A_140 = arith.index_cast %scan3A_77 : i32 to index
        %get3A_141 = arith.constant 0 : index
        %get3A_142 = tpu.vector_load %arg7[%get3A_140, %get3A_141] {strides = array<i32>} : memref<200x64xf32, #tpu.memory_space<vmem>>, vector<1x16xf32>,
        %get3A_143 = vector.shape_cast %get3A_142 : vector<1x16xf32> to vector<16xf32>
        %add3A_144 = arith.addf %get3A_139, %get3A_143 : vector<16xf32>
        %swap3A_145 = arith.index_cast %add3A_135 : i32 to index
        %swap3A_146 = arith.constant 0 : index
        %swap3A_147 = tpu.vector_load %arg9[%swap3A_145, %swap3A_146] {strides = array<i32>} : memref<400x64xf32, #tpu.memory_space<vmem>>, vector<1x16xf32>,
        %swap3A_148 = vector.shape_cast %swap3A_147 : vector<1x16xf32> to vector<16xf32>
        %swap3A_149 = vector.shape_cast %add3A_144 : vector<16xf32> to vector<1x16xf32>
        tpu.vector_store %arg9[%swap3A_145, %swap3A_146], %swap3A_149 {strides = array<i32>} : memref<400x64xf32, #tpu.memory_space<vmem>>, vector<1x16xf32>,
        %get3A_150 = arith.index_cast %add3A_135 : i32 to index
        %get3A_151 = arith.constant 16 : index
        %get3A_152 = tpu.vector_load %arg9[%get3A_150, %get3A_151] {strides = array<i32>} : memref<400x64xf32, #tpu.memory_space<vmem>>, vector<1x16xf32>,
        %get3A_153 = vector.shape_cast %get3A_152 : vector<1x16xf32> to vector<16xf32>
        %get3A_154 = arith.index_cast %scan3A_77 : i32 to index
        %get3A_155 = arith.constant 16 : index
        %get3A_156 = tpu.vector_load %arg7[%get3A_154, %get3A_155] {strides = array<i32>} : memref<200x64xf32, #tpu.memory_space<vmem>>, vector<1x16xf32>,
        %get3A_157 = vector.shape_cast %get3A_156 : vector<1x16xf32> to vector<16xf32>
        %add3A_158 = arith.addf %get3A_153, %get3A_157 : vector<16xf32>
        %swap3A_159 = arith.index_cast %add3A_135 : i32 to index
        %swap3A_160 = arith.constant 16 : index
        %swap3A_161 = tpu.vector_load %arg9[%swap3A_159, %swap3A_160] {strides = array<i32>} : memref<400x64xf32, #tpu.memory_space<vmem>>, vector<1x16xf32>,
        %swap3A_162 = vector.shape_cast %swap3A_161 : vector<1x16xf32> to vector<16xf32>
        %swap3A_163 = vector.shape_cast %add3A_158 : vector<16xf32> to vector<1x16xf32>
        tpu.vector_store %arg9[%swap3A_159, %swap3A_160], %swap3A_163 {strides = array<i32>} : memref<400x64xf32, #tpu.memory_space<vmem>>, vector<1x16xf32>,
        %get3A_164 = arith.index_cast %add3A_135 : i32 to index
        %get3A_165 = arith.constant 32 : index
        %get3A_166 = tpu.vector_load %arg9[%get3A_164, %get3A_165] {strides = array<i32>} : memref<400x64xf32, #tpu.memory_space<vmem>>, vector<1x16xf32>,
        %get3A_167 = vector.shape_cast %get3A_166 : vector<1x16xf32> to vector<16xf32>
        %get3A_168 = arith.index_cast %scan3A_77 : i32 to index
        %get3A_169 = arith.constant 32 : index
        %get3A_170 = tpu.vector_load %arg7[%get3A_168, %get3A_169] {strides = array<i32>} : memref<200x64xf32, #tpu.memory_space<vmem>>, vector<1x16xf32>,
        %get3A_171 = vector.shape_cast %get3A_170 : vector<1x16xf32> to vector<16xf32>
        %add3A_172 = arith.addf %get3A_167, %get3A_171 : vector<16xf32>
        %swap3A_173 = arith.index_cast %add3A_135 : i32 to index
        %swap3A_174 = arith.constant 32 : index
        %swap3A_175 = tpu.vector_load %arg9[%swap3A_173, %swap3A_174] {strides = array<i32>} : memref<400x64xf32, #tpu.memory_space<vmem>>, vector<1x16xf32>,
        %swap3A_176 = vector.shape_cast %swap3A_175 : vector<1x16xf32> to vector<16xf32>
        %swap3A_177 = vector.shape_cast %add3A_172 : vector<16xf32> to vector<1x16xf32>
        tpu.vector_store %arg9[%swap3A_173, %swap3A_174], %swap3A_177 {strides = array<i32>} : memref<400x64xf32, #tpu.memory_space<vmem>>, vector<1x16xf32>,
        %get3A_178 = arith.index_cast %add3A_135 : i32 to index
        %get3A_179 = arith.constant 48 : index
        %get3A_180 = tpu.vector_load %arg9[%get3A_178, %get3A_179] {strides = array<i32>} : memref<400x64xf32, #tpu.memory_space<vmem>>, vector<1x16xf32>,
        %get3A_181 = vector.shape_cast %get3A_180 : vector<1x16xf32> to vector<16xf32>
        %get3A_182 = arith.index_cast %scan3A_77 : i32 to index
        %get3A_183 = arith.constant 48 : index
        %get3A_184 = tpu.vector_load %arg7[%get3A_182, %get3A_183] {strides = array<i32>} : memref<200x64xf32, #tpu.memory_space<vmem>>, vector<1x16xf32>,
        %get3A_185 = vector.shape_cast %get3A_184 : vector<1x16xf32> to vector<16xf32>
        %add3A_186 = arith.addf %get3A_181, %get3A_185 : vector<16xf32>
        %swap3A_187 = arith.index_cast %add3A_135 : i32 to index
        %swap3A_188 = arith.constant 48 : index
        %swap3A_189 = tpu.vector_load %arg9[%swap3A_187, %swap3A_188] {strides = array<i32>} : memref<400x64xf32, #tpu.memory_space<vmem>>, vector<1x16xf32>,
        %swap3A_190 = vector.shape_cast %swap3A_189 : vector<1x16xf32> to vector<16xf32>
        %swap3A_191 = vector.shape_cast %add3A_186 : vector<16xf32> to vector<1x16xf32>
        tpu.vector_store %arg9[%swap3A_187, %swap3A_188], %swap3A_191 {strides = array<i32>} : memref<400x64xf32, #tpu.memory_space<vmem>>, vector<1x16xf32>,
      }
      %scan3A_59 = arith.constant 200 : i32
      %mul3A_60 = arith.constant 2 : i32
      %mul3A_61 = arith.muli %add3A_49, %mul3A_60 : i32
      %add3A_62 = arith.addi %mul3A_4, %mul3A_61 : i32
      %add3A_63 = arith.constant 0 : i32
      %add3A_64 = arith.addi %add3A_62, %add3A_63 : i32
      "tpu.region"() ({
        %run_scoped3A = tpu.sem_alloc : memref<!tpu.dma_semaphore, #tpu.memory_space<semaphore_mem>>
        %dma_start3A_77 = arith.constant 0 : i32
        %dma_start3A_78 = arith.constant 0 : i32
        %dma_start3A_79 = tpu.memref_slice %arg9[%dma_start3A_77, %dma_start3A_78] : memref<400x64xf32, #tpu.memory_space<vmem>> -> memref<200x64xf32, #tpu.memory_space<vmem>>
        %dma_start3A_80 = arith.constant 0 : i32
        %dma_start3A_81 = arith.constant 0 : i32
        %dma_start3A_82 = tpu.memref_slice %arg5[%add3A_64, %dma_start3A_80, %dma_start3A_81] : memref<4096x200x64xf32, #tpu.memory_space<hbm>> -> memref<1x200x64xf32, #tpu.memory_space<hbm>>
        %dma_start3A_83 = tpu.memref_squeeze %dma_start3A_82 : memref<1x200x64xf32, #tpu.memory_space<hbm>> -> memref<200x64xf32, #tpu.memory_space<hbm>>
        %dma_start3A_84 = arith.constant 0 : i32
        %dma_start3A_85 = arith.constant 0 : i32
        %dma_start3A_86 = tpu.memref_slice %arg5[%add3A_64, %dma_start3A_84, %dma_start3A_85] : memref<4096x200x64xf32, #tpu.memory_space<hbm>> -> memref<1x200x64xf32, #tpu.memory_space<hbm>>
        %dma_start3A_87 = tpu.memref_squeeze %dma_start3A_86 : memref<1x200x64xf32, #tpu.memory_space<hbm>> -> memref<200x64xf32, #tpu.memory_space<hbm>>
        %dma_start3A_88 = arith.constant 0 : i32
        %dma_start3A_89 = arith.constant 0 : i32
        %dma_start3A_90 = tpu.memref_slice %arg9[%dma_start3A_88, %dma_start3A_89] : memref<400x64xf32, #tpu.memory_space<vmem>> -> memref<200x64xf32, #tpu.memory_space<vmem>>
        tpu.enqueue_dma source(%dma_start3A_90 : memref<200x64xf32, #tpu.memory_space<vmem>>) target(%dma_start3A_87 : memref<200x64xf32, #tpu.memory_space<hbm>>) target_semaphore(%run_scoped3A : memref<!tpu.dma_semaphore, #tpu.memory_space<semaphore_mem>>)
        %dma_wait3A_91 = arith.constant 0 : i32
        %dma_wait3A_92 = arith.constant 0 : i32
        %dma_wait3A_93 = tpu.memref_slice %arg9[%dma_wait3A_91, %dma_wait3A_92] : memref<400x64xf32, #tpu.memory_space<vmem>> -> memref<200x64xf32, #tpu.memory_space<vmem>>
        %dma_wait3A_94 = arith.constant 0 : i32
        %dma_wait3A_95 = arith.constant 0 : i32
        %dma_wait3A_96 = tpu.memref_slice %arg5[%add3A_64, %dma_wait3A_94, %dma_wait3A_95] : memref<4096x200x64xf32, #tpu.memory_space<hbm>> -> memref<1x200x64xf32, #tpu.memory_space<hbm>>
        %dma_wait3A_97 = tpu.memref_squeeze %dma_wait3A_96 : memref<1x200x64xf32, #tpu.memory_space<hbm>> -> memref<200x64xf32, #tpu.memory_space<hbm>>
        %dma_wait3A_98 = arith.constant 0 : i32
        %dma_wait3A_99 = arith.constant 0 : i32
        %dma_wait3A_100 = tpu.memref_slice %arg5[%add3A_64, %dma_wait3A_98, %dma_wait3A_99] : memref<4096x200x64xf32, #tpu.memory_space<hbm>> -> memref<1x200x64xf32, #tpu.memory_space<hbm>>
        %dma_wait3A_101 = tpu.memref_squeeze %dma_wait3A_100 : memref<1x200x64xf32, #tpu.memory_space<hbm>> -> memref<200x64xf32, #tpu.memory_space<hbm>>
        %dma_wait3A_102 = arith.constant 0 : i32
        %dma_wait3A_103 = arith.constant 0 : i32
        %dma_wait3A_104 = tpu.memref_slice %arg9[%dma_wait3A_102, %dma_wait3A_103] : memref<400x64xf32, #tpu.memory_space<vmem>> -> memref<200x64xf32, #tpu.memory_space<vmem>>
        tpu.wait_dma2 semaphore(%run_scoped3A : memref<!tpu.dma_semaphore, #tpu.memory_space<semaphore_mem>>) src(%dma_wait3A_104 : memref<200x64xf32, #tpu.memory_space<vmem>>) dst(%dma_wait3A_101 : memref<200x64xf32, #tpu.memory_space<hbm>>)
        tpu.yield
      }) : () -> ()
      %mul3A_65 = arith.constant 2 : i32
      %mul3A_66 = arith.muli %add3A_49, %mul3A_65 : i32
      %add3A_67 = arith.addi %mul3A_4, %mul3A_66 : i32
      %add3A_68 = arith.constant 1 : i32
      %add3A_69 = arith.addi %add3A_67, %add3A_68 : i32
      "tpu.region"() ({
        %run_scoped3A = tpu.sem_alloc : memref<!tpu.dma_semaphore, #tpu.memory_space<semaphore_mem>>
        %dma_start3A_77 = arith.constant 200 : i32
        %dma_start3A_78 = arith.constant 0 : i32
        %dma_start3A_79 = tpu.memref_slice %arg9[%dma_start3A_77, %dma_start3A_78] : memref<400x64xf32, #tpu.memory_space<vmem>> -> memref<200x64xf32, #tpu.memory_space<vmem>>
        %dma_start3A_80 = arith.constant 0 : i32
        %dma_start3A_81 = arith.constant 0 : i32
        %dma_start3A_82 = tpu.memref_slice %arg5[%add3A_69, %dma_start3A_80, %dma_start3A_81] : memref<4096x200x64xf32, #tpu.memory_space<hbm>> -> memref<1x200x64xf32, #tpu.memory_space<hbm>>
        %dma_start3A_83 = tpu.memref_squeeze %dma_start3A_82 : memref<1x200x64xf32, #tpu.memory_space<hbm>> -> memref<200x64xf32, #tpu.memory_space<hbm>>
        %dma_start3A_84 = arith.constant 0 : i32
        %dma_start3A_85 = arith.constant 0 : i32
        %dma_start3A_86 = tpu.memref_slice %arg5[%add3A_69, %dma_start3A_84, %dma_start3A_85] : memref<4096x200x64xf32, #tpu.memory_space<hbm>> -> memref<1x200x64xf32, #tpu.memory_space<hbm>>
        %dma_start3A_87 = tpu.memref_squeeze %dma_start3A_86 : memref<1x200x64xf32, #tpu.memory_space<hbm>> -> memref<200x64xf32, #tpu.memory_space<hbm>>
        %dma_start3A_88 = arith.constant 200 : i32
        %dma_start3A_89 = arith.constant 0 : i32
        %dma_start3A_90 = tpu.memref_slice %arg9[%dma_start3A_88, %dma_start3A_89] : memref<400x64xf32, #tpu.memory_space<vmem>> -> memref<200x64xf32, #tpu.memory_space<vmem>>
        tpu.enqueue_dma source(%dma_start3A_90 : memref<200x64xf32, #tpu.memory_space<vmem>>) target(%dma_start3A_87 : memref<200x64xf32, #tpu.memory_space<hbm>>) target_semaphore(%run_scoped3A : memref<!tpu.dma_semaphore, #tpu.memory_space<semaphore_mem>>)
        %dma_wait3A_91 = arith.constant 200 : i32
        %dma_wait3A_92 = arith.constant 0 : i32
        %dma_wait3A_93 = tpu.memref_slice %arg9[%dma_wait3A_91, %dma_wait3A_92] : memref<400x64xf32, #tpu.memory_space<vmem>> -> memref<200x64xf32, #tpu.memory_space<vmem>>
        %dma_wait3A_94 = arith.constant 0 : i32
        %dma_wait3A_95 = arith.constant 0 : i32
        %dma_wait3A_96 = tpu.memref_slice %arg5[%add3A_69, %dma_wait3A_94, %dma_wait3A_95] : memref<4096x200x64xf32, #tpu.memory_space<hbm>> -> memref<1x200x64xf32, #tpu.memory_space<hbm>>
        %dma_wait3A_97 = tpu.memref_squeeze %dma_wait3A_96 : memref<1x200x64xf32, #tpu.memory_space<hbm>> -> memref<200x64xf32, #tpu.memory_space<hbm>>
        %dma_wait3A_98 = arith.constant 0 : i32
        %dma_wait3A_99 = arith.constant 0 : i32
        %dma_wait3A_100 = tpu.memref_slice %arg5[%add3A_69, %dma_wait3A_98, %dma_wait3A_99] : memref<4096x200x64xf32, #tpu.memory_space<hbm>> -> memref<1x200x64xf32, #tpu.memory_space<hbm>>
        %dma_wait3A_101 = tpu.memref_squeeze %dma_wait3A_100 : memref<1x200x64xf32, #tpu.memory_space<hbm>> -> memref<200x64xf32, #tpu.memory_space<hbm>>
        %dma_wait3A_102 = arith.constant 200 : i32
        %dma_wait3A_103 = arith.constant 0 : i32
        %dma_wait3A_104 = tpu.memref_slice %arg9[%dma_wait3A_102, %dma_wait3A_103] : memref<400x64xf32, #tpu.memory_space<vmem>> -> memref<200x64xf32, #tpu.memory_space<vmem>>
        tpu.wait_dma2 semaphore(%run_scoped3A : memref<!tpu.dma_semaphore, #tpu.memory_space<semaphore_mem>>) src(%dma_wait3A_104 : memref<200x64xf32, #tpu.memory_space<vmem>>) dst(%dma_wait3A_101 : memref<200x64xf32, #tpu.memory_space<hbm>>)
        tpu.yield
      }) : () -> ()
      %add3A_70 = arith.constant 2 : i32
      %add3A_71 = arith.addi %add3A_49, %add3A_70 : i32
      %lt3A_72 = arith.constant 64 : i32
      %lt3A_73 = arith.cmpi slt, %add3A_71, %lt3A_72 : i32
      %convert_element_type3A_74 = arith.extui %lt3A_73 : i1 to i32
      %cond3A_75 = arith.constant 0 : i32
      %cond3A_76 = arith.cmpi ne, %convert_element_type3A_74, %cond3A_75 : i32
      scf.if %cond3A_76 {
        %add3A_77 = arith.constant 2 : i32
        %add3A_78 = arith.addi %add3A_49, %add3A_77 : i32
        %mul3A_79 = arith.constant 400 : i32
        %mul3A_80 = arith.muli %add3A_78, %mul3A_79 : i32
        %dma_start3A_81 = tpu.memref_slice %arg6[%mul3A_80] : memref<25600xi32, #tpu.memory_space<vmem>> -> memref<400xi32, #tpu.memory_space<vmem>>
        %dma_start3A_82 = arith.constant 0 : i32
        %dma_start3A_83 = arith.constant 0 : i32
        %dma_start3A_84 = tpu.memref_slice %arg3[%dma_start3A_82, %dma_start3A_83] : memref<100000x64xf32, #tpu.memory_space<hbm>> -> memref<100000x64xf32, #tpu.memory_space<hbm>>
        tpu.enqueue_indirect_dma source(%dma_start3A_84 : memref<100000x64xf32, #tpu.memory_space<hbm>>) target(%arg9 : memref<400x64xf32, #tpu.memory_space<vmem>>) offsets(%dma_start3A_81 : memref<400xi32, #tpu.memory_space<vmem>>) semaphore(%arg11 : memref<!tpu.dma_semaphore, #tpu.memory_space<semaphore_mem>>)
      } else {
      }
    }
    %scan3A_17 = arith.constant 32 : i32
    return
  }
}

</mosaic_0001>

<sc_bundles>
// kernel: kernel.3.cloned.1.call-start
scs
__scs_entry_jumppad:
0x0: {  	(pc) =	sbr.rel $0x88, $3  }
0x1: {  	(tag) =	ssettag $0x0;
	lr =	simm.s32 $0x1  }
0x2: {  	[smem:$0x3F9E] =	sst lr;
	_ =	strace $0xD0000000  }
0x3: {  	_ = 	snop  }
0x4: {  	_ = 	snop  }
0x5: {  	_ = 	snop  }
0x6: {  	_ = 	snop  }
0x7: {  	_ = 	snop  }
__scs_overlays_trampoline_lowered:
0x8: {  	[smem:$0x3FAD] =	sst s0  }
0x9: {  	[smem:$0x3FAE] =	sst s1  }
0xa: {  	[smem:$0x3FAF] =	sst s2  }
0xb: {  	[smem:$0x3FB0] =	sst s3  }
0xc: {  	[smem:$0x3FB1] =	sst s4  }
0xd: {  	[smem:$0x3FB2] =	sst s5  }
0xe: {  	[smem:$0x3FB3] =	sst s6  }
0xf: {  	[smem:$0x3FB4] =	sst s7  }
0x10: {  	[smem:$0x3FB5] =	sst s8  }
0x11: {  	[smem:$0x3FB6] =	sst s9;
	s0 =	simm.s32 @!p0 $0x0  }
0x12: {  	s1 =	sld [smem:$0x3F9C];
	s0 =	simm.s32 @p0 $0x1  }
0x13: {  	[smem:$0x3FB7] =	sst s0;
	s0 =	simm.s32 @!p1 $0x0  }
0x14: {  	s2 =	sld [smem:$0x3F9B];
	s0 =	simm.s32 @p1 $0x1  }
0x15: {  	[smem:$0x3FB8] =	sst s0;
	s0 =	simm.s32 @!p2 $0x0  }
0x16: {  	s3 =	sld [smem:$0x3FDB];
	s0 =	simm.s32 @p2 $0x1  }
0x17: {  	s4 =	simm.s32 $0x1BF5;
	[smem:$0x3FBA] =	sst s0  }
0x18: {  	s0 =	sld [smem:$0x3F9D];
	_ =	swait.ge [sflag:s4], $0x0  }
0x19: {  	s7 =	sld [smem:$0x3F9E]  }
0x1a: {  	s8 =	sadd.s32 $0xFFFFE003, lr  }
0x1b: {  	s9 =	sadd.s32 $0xFFFFFEF7, lr;
	s5 =	simm.s32 $0xFFFFFFFF;
	p2 =	slt.u32 s8, $0xFFFFF086  }
0x1c: {  	p1 =	slt.u32 s9, $0xF7A;
	s5 =	simm.s32 @!p2 $0x0  }
0x1d: {  	s5 =	simm.s32 @p1 $0x1;
	p0 =	seq.s32 s7, s2  }
0x1e: {  	s7 =	smul.u32 @!p0 $0xF7A, s2;
	p2 =	seq.s32 @!p0 s5, $0x0  }
0x1f: {  	s9 =	smul.u32 $0xF7A, s1;
	s8 =	simm.s32 @!p0 $0x1BF5;
	p2 =	por !p2, p0  }
0x20: {  	[sflag:s8] =	ssyncset.s32 @!p0 $0xFFFFF086;
	s6 =	sadd.s32 @!p0 s3, s7;
	s7 =	simm.s32 @!p0 $0x108  }
0x21: {  	s3 =	sadd.s32 s3, s9;
	s6 =	sadd.s32 @!p0 $0x88, s6;
	s7 =	simm.s32 @p2 $0x1082  }
0x22: {  	[simem:s7], [sflag:s8] =	dma.local @!p0 [hbm:s6], $0xF7A  }
0x23: {  	s9 =	sor.u32 $0xD0000000, s2;
	s6 =	simm.s32 $0x108;
	_ =	swait.ge @!p0 [sflag:s8], $0x0  }
0x24: {  	s3 =	sadd.s32 $0x88, s3;
	s6 =	simm.s32 @!p1 $0x1082;
	[sflag:s4] =	ssyncset.s32 $0xFFFFF086  }
0x25: {  	[simem:s6], [sflag:s4] =	dma.local [hbm:s3], $0xF7A  }
0x26: {  	[smem:$0x3F9E] =	sst s1;
	(tag) =	ssettag s2;
	_ =	strace s9  }
0x27: {  	s1 =	sld [smem:$0x3FAE]  }
0x28: {  	s2 =	sld [smem:$0x3FAF]  }
0x29: {  	s4 =	sld [smem:$0x3FB1]  }
0x2a: {  	p0 =	seq.s32 s5, $0x0;
	s5 =	sld [smem:$0x3FB2]  }
0x2b: {  	s6 =	sld [smem:$0x3FB3]  }
0x2c: {  	s7 =	sld [smem:$0x3FB4]  }
0x2d: {  	s3 =	simm.s32 $0x108;
	s8 =	sld [smem:$0x3FB5]  }
0x2e: {  	s3 =	simm.s32 @!p0 $0x1082;
	s9 =	sld [smem:$0x3FB6]  }
0x2f: {  	lr =	sadd.s32 s0, s3;
	s0 =	sld [smem:$0x3FAD]  }
0x30: {  	s3 =	sld [smem:$0x3FB0]  }
0x31: {  	[smem:$0x3FB9] =	sst s10  }
0x32: {  	s10 =	sld [smem:$0x3FB7];
	_ =	sdelay $0x3  }
0x33: {  	p0 =	seq.s32 s10, $0x1;
	s10 =	sld [smem:$0x3FB9];
	_ =	sdelay $0x3  }
0x34: {  	[smem:$0x3FB9] =	sst s10  }
0x35: {  	s10 =	sld [smem:$0x3FB8];
	_ =	sdelay $0x3  }
0x36: {  	p1 =	seq.s32 s10, $0x1;
	s10 =	sld [smem:$0x3FB9];
	_ =	sdelay $0x3  }
0x37: {  	[smem:$0x3FB9] =	sst s10  }
0x38: {  	s10 =	sld [smem:$0x3FBA]  }
0x39: {  	_ = 	snop;
	(pc) =	sbr.ind lr, $3  }
0x3a: {  	_ = 	snop  }
0x3b: {  	_ = 	snop  }
0x3c: {  	p2 =	seq.s32 s10, $0x1;
	s10 =	sld [smem:$0x3FB9]  }
0x3d: {  	_ =	shalt  }
0x3e: {  	_ =	shalt  }
0x3f: {  	_ =	shalt  }
0x40: {  	_ =	shalt  }
0x41: {  	_ =	shalt  }
0x42: {  	_ =	shalt  }
0x43: {  	_ =	shalt  }
0x44: {  	_ =	shalt  }
0x45: {  	_ =	shalt  }
0x46: {  	_ =	shalt  }
0x47: {  	_ =	shalt  }
0x48: {  	_ =	shalt  }
0x49: {  	_ =	shalt  }
0x4a: {  	_ =	shalt  }
0x4b: {  	_ =	shalt  }
0x4c: {  	_ =	shalt  }
0x4d: {  	_ =	shalt  }
0x4e: {  	_ =	shalt  }
0x4f: {  	_ =	shalt  }
0x50: {  	_ =	shalt  }
0x51: {  	_ =	shalt  }
0x52: {  	_ =	shalt  }
0x53: {  	_ =	shalt  }
0x54: {  	_ =	shalt  }
0x55: {  	_ =	shalt  }
0x56: {  	_ =	shalt  }
0x57: {  	_ =	shalt  }
0x58: {  	_ =	shalt  }
0x59: {  	_ =	shalt  }
0x5a: {  	_ =	shalt  }
0x5b: {  	_ =	shalt  }
0x5c: {  	_ =	shalt  }
0x5d: {  	_ =	shalt  }
0x5e: {  	_ =	shalt  }
0x5f: {  	_ =	shalt  }
0x60: {  	_ =	shalt  }
0x61: {  	_ =	shalt  }
0x62: {  	_ =	shalt  }
0x63: {  	_ =	shalt  }
0x64: {  	_ =	shalt  }
0x65: {  	_ =	shalt  }
0x66: {  	_ =	shalt  }
0x67: {  	_ =	shalt  }
0x68: {  	_ =	shalt  }
0x69: {  	_ =	shalt  }
0x6a: {  	_ =	shalt  }
0x6b: {  	_ =	shalt  }
0x6c: {  	_ =	shalt  }
0x6d: {  	_ =	shalt  }
0x6e: {  	_ =	shalt  }
0x6f: {  	_ =	shalt  }
0x70: {  	_ =	shalt  }
0x71: {  	_ =	shalt  }
0x72: {  	_ =	shalt  }
0x73: {  	_ =	shalt  }
0x74: {  	_ =	shalt  }
0x75: {  	_ =	shalt  }
0x76: {  	_ =	shalt  }
0x77: {  	_ =	shalt  }
0x78: {  	_ =	shalt  }
0x79: {  	_ =	shalt  }
0x7a: {  	_ =	shalt  }
0x7b: {  	_ =	shalt  }
0x7c: {  	_ =	shalt  }
0x7d: {  	_ =	shalt  }
0x7e: {  	_ =	shalt  }
0x7f: {  	_ =	shalt  }
0x80: {  	_ =	shalt  }
0x81: {  	_ =	shalt  }
0x82: {  	_ =	shalt  }
0x83: {  	_ =	shalt  }
0x84: {  	_ =	shalt  }
0x85: {  	_ =	shalt  }
0x86: {  	_ =	shalt  }
0x87: {  	_ =	shalt  }
.Lfunc_end0:
.L_simem_size_0:
called_computation.1_lowered:
.L_overlay_start_0:
0x88: {  	s2 =	sld [smem:$0x3FD9]  }
0x89: {  	s3 =	sld [smem:$0x3FFE];
	_ =	sdelay $0x1  }
0x8a: {  	s1 =	srdreg.scid  }
0x8b: {  	s0 =	sand.u32 $0x1, s1  }
0x8c: {  	s17 =	sshll.u32 s0, $0xA;
	s2 =	sadd.s32 s3, s2  }
0x8d: {  	s2 =	sadd.s32 s2, s17  }
0x8e: {  	[smem:$0x3FC5] =	sst s2  }
0x8f: {  	_ = 	snop  }
0x90: {  	s2 =	sld [smem:$0x3FD0];
	(tm) =	ssettm $0x1  }
0x91: {  	s18 =	sld [smem:$0x3FFB];
	_ =	sdelay $0x3  }
0x92: {  	_ =	strace s18  }
0x93: {  	s3 =	sld [smem:$0x3FFC];
	_ =	sdelay $0x3  }
0x94: {  	_ =	strace s3  }
0x95: {  	s3 =	sld [smem:$0x3FFD];
	_ =	sdelay $0x3  }
0x96: {  	_ =	strace s3  }
0x97: {  	_ =	strace $0x8FFFFFFF  }
0x98: {  	s19 =	sld [smem:$0x3FDB];
	_ =	sdelay $0x1  }
0x99: {  	s4 =	simm.s32 $_scs_section_size  }
0x9a: {  	s5 =	simm.s32 $_size__tile_overlayer_lowered;
	s6 =	simm.s32 $_tile_overlayer_lowered  }
0x9b: {  	s22 =	simm.s32 $0x1BFF;
	s21 =	sshll.u32 s6, $0x1;
	s3 =	sadd.s32 s4, s19  }
0x9c: {  	s7 =	simm.s32 $0x0;
	s20 =	sshll.u32 s5, $0x1;
	s5 =	sadd.s32 s21, s3  }
0x9d: {  	[timem:s7], [sflag:s22] =	dma.local [hbm:s5], s20  }
0x9e: {  	_ =	swait.ge [sflag:s22], s20  }
0x9f: {  	s4 =	ssub.s32 $0x0, s20;
	[sflag:s22] =	ssyncset.done $0x0  }
0xa0: {  	[sflag:s22] =	ssyncadd.s32 s4;
	_ =	sdelay $0x1  }
0xa1: {  	s23 =	simm.s32 $0x1B8B  }
0xa2: {  	_ =	swait.ge [sflag:s23], $0x1  }
0xa3: {  	[sflag:s23] =	ssyncset.done $0x0  }
0xa4: {  	s25 =	simm.s32 $0x1B8E;
	s24 =	sld [smem:$0x3FFE];
	[sflag:s23] =	ssyncadd.s32 $0xFFFFFFFF  }
0xa5: {  	s26 =	simm.s32 $execute0_lowered;
	[smem:$0x3FD2] =	sst s25  }
0xa6: {  	s5 =	sshll.u32 s26, $0x1;
	_ =	strace $0x80000046;
	[dreg:$0x1] =	wrdreg $0xFFFFFFFF  }
0xa7: {  	s28 =	simm.s32 $_size_execute0_lowered;
	s3 =	sadd.s32 s3, s5;
	[dreg:$0x0] =	wrdreg $0x0  }
0xa8: {  	s5 =	sshll.u32 s28, $0x1;
	[dreg:$0x2] =	wrdreg s3  }
0xa9: {  	[dreg:$0x3] =	wrdreg s5  }
0xaa: {  	[dreg:$0x4] =	wrdreg $0xC0  }
0xab: {  	_ =	task [dreg:s7], $0x5FFFF  }
0xac: {  	[dreg:$0x1] =	wrdreg $0xFFFFFFFF  }
0xad: {  	[dreg:$0x0] =	wrdreg $0x60  }
0xae: {  	[dreg:$0x2] =	wrdreg s24  }
0xaf: {  	[dreg:$0x3] =	wrdreg s2  }
0xb0: {  	[dreg:$0x4] =	wrdreg $0x9  }
0xb1: {  	_ =	task.clear_ibuf [dreg:s7], $0x5FFFF;
	_ =	strace $0x90000046  }
0xb2: {  	s29 =	simm.s32 $0x9;
	_ =	strace $0x80000048  }
0xb3: {  	_ =	swait.ge [sflag:s29], $0x1  }
0xb4: {  	[sflag:s29] =	ssyncadd.s32 $0xFFFFFFFF  }
0xb5: {  	_ =	strace $0x90000048  }
0xb6: {  	_ =	sfence  }
0xb7: {  	s30 =	sld [smem:$0x0];
	_ =	sdelay $0x2  }
0xb8: {  	s31 =	sshll.u32 s1, $0xD;
	s1 =	sshrl.u32 s1, $0x2  }
0xb9: {  	s3 =	sand.u32 $0x4000, s31;
	s1 =	sadd.s32 s1, s30  }
0xba: {  	s0 =	sor.u32 s3, s0;
	s1 =	sshll.u32 s1, $0x11  }
0xbb: {  	s0 =	sor.u32 s1, s0  }
0xbc: {  	s0 =	sadd.s32 $0x8F2B, s0  }
0xbd: {  	[sflag:s0] =	ssyncadd.remote.s32 $0x1  }
0xbe: {  	_ =	sfence.sel $0xFFFF  }
0xbf: {  	[dreg:$0x0] =	wrdreg $0xFFFFFFFF;
	(pc) =	sbr.abs _section_cstart, $3  }
0xc0: {  	[dreg:$0x1] =	wrdreg $0xFFFFFFFF  }
0xc1: {  	_ =	task.clear_ibuf [dreg:s7], $0x2FFFF;
	_ =	strace $0x9FFFFFFF  }
0xc2: {  	(tm) =	ssettm $0x7FFFFFFF  }
0xc3: {  	_ =	shalt  }
tec
execute0_lowered:
.L_overlay_start_1:
0x0: {  	(tag) =	ssettag $0x1  }
0x1: {  	s5 =	rddreg [dreg:$0x0];
	s1 =	srdreg.scid  }
0x2: {  	s0 =	stileid.u32;
	s2 =	rddreg [dreg:$0x1];
	s3 =	simm.s32 $0x0  }
0x3: {  	s10 =	simm.s32 $0x6400;
	s11 =	simm.s32 $0x190;
	s12 =	simm.s32 $0x9600  }
0x4: {  	s13 =	simm.s32 $0xFA00;
	s14 =	simm.s32 $0x1;
	s15 =	simm.s32 $0xC800  }
0x5: {  	s16 =	simm.s32 $0x2;
	s17 =	simm.s32 $0x12C00;
	s18 =	simm.s32 $0x0  }
0x6: {  	s4 =	sand.u32 $0x1, s1;
	s6 =	sshll.u32 s0, $0x1;
	s1 =	rddreg [dreg:$0x2]  }
.Ltmp0:
0x7: {  	[smem:$0x7FF] =	sst s3;
	s6 =	sor.u32 s4, s6;
	(pc) =	sbr.rel .LBB2_1-.Ltmp0, $4  }
0x8: {  	_ =	strace $0x80000047;
	s8 =	ssub.s32 $0x2, s4;
	s7 =	smul.u32 $0xC80, s6  }
0x9: {  	s4 =	sadd.s32 $0x1A000, s5;
	s9 =	sshrl.u32 s8, $0x1;
	s6 =	sshll.u32 s6, $0x7  }
0xa: {  	s8 =	ssub.s32 s8, s9;
	s9 =	simm.s32 $0x3;
	s7 =	sadd.s32 s7, s5  }
0xb: {  	s5 =	sadd.s32 $0x800, s5;
	s8 =	smax.u32 s8, $0x1;
	s7 =	sadd.s32 $0x1000, s7  }
.LBB2_8:
0xc: {  	s18 =	sadd.s32 $0x1, s18  }
0xd: {  	p0 =	sne.s32 s18, s8  }
.Ltmp1:
0xe: {  	_ = 	snop;
	(pc) =	sbr.rel @!p0 .LBB2_9-.Ltmp1, $1  }
0xf: {  	_ =	sdelay $0x3  }
.LBB2_1:
0x10: {  	[tilespmem:s3], [sflag:$0x3] =	stream.linear.gather [hbm4b:s7+s3], $0x6400, $0x38;
	[tilespmem:$0x15E00] =	vst v63  }
0x11: {  	_ =	swait.ge [sflag:s9], $0x6400  }
0x12: {  	[sflag:s9] =	ssyncset.done $0x0  }
0x13: {  	[sflag:s9] =	ssyncadd.s32 $0xFFFF9C00  }
0x14: {  	[tilespmem:s10], [sflag:$0x3] =	stream.linear.gather [hbm4b:s5+s3], $0x3200, $0x38;
	[tilespmem:$0x15E00] =	vst v63  }
0x15: {  	_ =	swait.ge [sflag:s9], $0x3200  }
0x16: {  	[sflag:s9] =	ssyncset.done $0x0  }
0x17: {  	[sflag:s9] =	ssyncadd.s32 $0xFFFFCE00  }
0x18: {  	[tilespmem:s12], [sflag:$0x1] =	stream.indirect.gather [hbm4b:s4+s11], $0x40, s3, s11, $0xb8;
	[tilespmem:$0x15E00] =	vst v63  }
0x19: {  	s19 =	simm.s32 $0x0  }
0x1a: {  	[tilespmem:s13], [sflag:$0x2] =	stream.indirect.gather [hbm4b:s4+s11], $0x40, s11, s11, $0xb8;
	[tilespmem:$0x15E00] =	vst v63  }
.LBB2_2:
0x1b: {  	_ =	swait.ge [sflag:s14], $0x6400  }
0x1c: {  	[sflag:s14] =	ssyncset.done $0x0  }
0x1d: {  	s21 =	simm.s32 $0x0;
	[sflag:s14] =	ssyncadd.s32 $0xFFFF9C00  }
0x1e: {  	v4 =	vld [tilespmem:s21+$0x6400]  }
0x1f: {  	v2 =	vld [tilespmem:s21+$0x6410]  }
0x20: {  	v1 =	vld [tilespmem:s21+$0x6420]  }
0x21: {  	v3 =	vld [tilespmem:s21+$0x6430]  }
0x22: {  	v0 =	vld [tilespmem:s21+$0x6430]  }
0x23: {  	v5 =	vld [tilespmem:s21+$0x9600]  }
0x24: {  	v10 =	vld [tilespmem:s21+$0x9610]  }
0x25: {  	v9 =	vld [tilespmem:s21+$0x9620]  }
0x26: {  	v8 =	vld [tilespmem:s21+$0x9630]  }
0x27: {  	v7 =	vld [tilespmem:s21+$0xC800]  }
0x28: {  	v6 =	vld [tilespmem:s21+$0xC810];
	v11 =	vadd.f32 v4, v5  }
0x29: {  	s20 =	simm.s32 $0x100;
	v10 =	vadd.f32 v2, v10;
	v5 =	vld [tilespmem:s21+$0xC820]  }
.LBB2_3:
0x2a: {  	s22 =	sshra.s32 s20, $0x2;
	p0 =	sne.s32 s20, $0xC700;
	[tilespmem:s21+$0x9600] =	vst v11;
	v9 =	vadd.f32 v1, v9;
	v11 =	vld [tilespmem:s21+$0xC830]  }
0x2b: {  	v12 =	vld [tilespmem:s22+$0x6400];
	[tilespmem:s21+$0x9610] =	vst v10;
	v3 =	vadd.f32 v3, v8  }
0x2c: {  	v8 =	vld [tilespmem:s22+$0x6410];
	[tilespmem:s21+$0x9620] =	vst v9;
	v4 =	vadd.f32 v4, v7  }
0x2d: {  	v7 =	vld [tilespmem:s22+$0x6420];
	[tilespmem:s21+$0x9630] =	vst v3;
	v2 =	vadd.f32 v2, v6  }
0x2e: {  	v3 =	vld [tilespmem:s22+$0x6430];
	[tilespmem:s21+$0xC800] =	vst v4;
	v1 =	vadd.f32 v1, v5  }
0x2f: {  	[tilespmem:s21+$0xC810] =	vst v2;
	v6 =	vadd.f32 v0, v11;
	v0 =	vld [tilespmem:s22+$0x6430]  }
0x30: {  	v5 =	vld [tilespmem:s22+$0x9600];
	[tilespmem:s21+$0xC820] =	vst v1;
	v4 =	vmov v12  }
0x31: {  	v10 =	vld [tilespmem:s22+$0x9610];
	[tilespmem:s21+$0xC830] =	vst v6;
	v2 =	vmov v8;
	s21 =	smov.u32 s22  }
.Ltmp2:
0x32: {  	v9 =	vld [tilespmem:s21+$0x9620];
	v1 =	vmov v7;
	(pc) =	sbr.rel @p0 .LBB2_3-.Ltmp2, $4  }
0x33: {  	v8 =	vld [tilespmem:s21+$0x9630]  }
0x34: {  	v7 =	vld [tilespmem:s21+$0xC800]  }
0x35: {  	v11 =	vadd.f32 v4, v5;
	v6 =	vld [tilespmem:s21+$0xC810]  }
0x36: {  	s20 =	sadd.s32 $0x100, s20;
	v10 =	vadd.f32 v2, v10;
	v5 =	vld [tilespmem:s21+$0xC820]  }
0x37: {  	[tilespmem:s21+$0x9600] =	vst v11;
	v9 =	vadd.f32 v1, v9;
	v11 =	vld [tilespmem:s21+$0xC830]  }
0x38: {  	[tilespmem:s21+$0x9610] =	vst v10;
	v3 =	vadd.f32 v3, v8  }
0x39: {  	[tilespmem:s21+$0x9620] =	vst v9;
	v4 =	vadd.f32 v4, v7  }
0x3a: {  	s20 =	sshll.u32 s19, $0x2;
	[tilespmem:s21+$0x9630] =	vst v3;
	v2 =	vadd.f32 v2, v6  }
0x3b: {  	s20 =	sor.u32 s6, s20;
	[tilespmem:s21+$0xC800] =	vst v4;
	v1 =	vadd.f32 v1, v5  }
0x3c: {  	s22 =	smul.u32 $0x640, s20;
	[tilespmem:s21+$0xC810] =	vst v2;
	v0 =	vadd.f32 v0, v11  }
0x3d: {  	[tilespmem:s21+$0xC820] =	vst v1  }
0x3e: {  	s30 =	smul.u32 $0x3200, s20;
	s29 =	sadd.s32 s2, s22;
	[tilespmem:s21+$0xC830] =	vst v0  }
0x3f: {  	[hbm4b:s29+s3] =	stream.linear.scatter [tilespmem:s12], [sflag:$0x3], $0x3200, $0x38;
	[tilespmem:$0x15E00] =	vst v63  }
0x40: {  	s31 =	sshrl.u32 s30, $0x3;
	_ =	swait.ge [sflag:s9], $0x3200  }
0x41: {  	s21 =	sadd.s32 s2, s31;
	[sflag:s9] =	ssyncset.done $0x0  }
0x42: {  	p0 =	seq.s32 s19, $0x1F;
	s21 =	sadd.s32 $0x640, s21;
	[sflag:s9] =	ssyncadd.s32 $0xFFFFCE00  }
0x43: {  	[hbm4b:s21+s3] =	stream.linear.scatter [tilespmem:s15], [sflag:$0x3], $0x3200, $0x38;
	[tilespmem:$0x15E00] =	vst v63  }
0x44: {  	s21 =	smul.u32 @!p0 $0xC80, s19  }
0x45: {  	_ =	swait.ge [sflag:s9], $0x3200  }
0x46: {  	s23 =	simm.s32 @!p0 $0x9600;
	[sflag:s9] =	ssyncset.done $0x0;
	s21 =	sshra.s32 @!p0 s21, $0x2  }
0x47: {  	s22 =	simm.s32 @!p0 $0x190;
	[sflag:s9] =	ssyncadd.s32 $0xFFFFCE00;
	s21 =	sadd.s32 @!p0 $0x320, s21  }
0x48: {  	[tilespmem:s23], [sflag:$0x1] =	stream.indirect.gather @!p0 [hbm4b:s4+s22], $0x40, s21, s22, $0xb8;
	[tilespmem:$0x15E00] =	vst v63  }
0x49: {  	_ =	swait.ge [sflag:s16], $0x6400  }
0x4a: {  	[sflag:s16] =	ssyncset.done $0x0  }
0x4b: {  	s21 =	simm.s32 $0x0;
	[sflag:s16] =	ssyncadd.s32 $0xFFFF9C00  }
0x4c: {  	v4 =	vld [tilespmem:s21+$0x6400]  }
0x4d: {  	v2 =	vld [tilespmem:s21+$0x6410]  }
0x4e: {  	v1 =	vld [tilespmem:s21+$0x6420]  }
0x4f: {  	v3 =	vld [tilespmem:s21+$0x6430]  }
0x50: {  	v0 =	vld [tilespmem:s21+$0x6430]  }
0x51: {  	v6 =	vld [tilespmem:s21+$0xFA00]  }
0x52: {  	v10 =	vld [tilespmem:s21+$0xFA10]  }
0x53: {  	v9 =	vld [tilespmem:s21+$0xFA20]  }
0x54: {  	v8 =	vld [tilespmem:s21+$0xFA30]  }
0x55: {  	v7 =	vld [tilespmem:s21+$0x12C00]  }
0x56: {  	v5 =	vld [tilespmem:s21+$0x12C10];
	v11 =	vadd.f32 v4, v6  }
0x57: {  	s22 =	simm.s32 $0x100;
	v10 =	vadd.f32 v2, v10;
	v6 =	vld [tilespmem:s21+$0x12C20]  }
.LBB2_5:
0x58: {  	s23 =	sshra.s32 s22, $0x2;
	p1 =	sne.s32 s22, $0xC700;
	[tilespmem:s21+$0xFA00] =	vst v11;
	v9 =	vadd.f32 v1, v9;
	v11 =	vld [tilespmem:s21+$0x12C30]  }
0x59: {  	v12 =	vld [tilespmem:s23+$0x6400];
	[tilespmem:s21+$0xFA10] =	vst v10;
	v3 =	vadd.f32 v3, v8  }
0x5a: {  	v8 =	vld [tilespmem:s23+$0x6410];
	[tilespmem:s21+$0xFA20] =	vst v9;
	v4 =	vadd.f32 v4, v7  }
0x5b: {  	v7 =	vld [tilespmem:s23+$0x6420];
	[tilespmem:s21+$0xFA30] =	vst v3;
	v2 =	vadd.f32 v2, v5  }
0x5c: {  	v3 =	vld [tilespmem:s23+$0x6430];
	[tilespmem:s21+$0x12C00] =	vst v4;
	v1 =	vadd.f32 v1, v6  }
0x5d: {  	[tilespmem:s21+$0x12C10] =	vst v2;
	v9 =	vadd.f32 v0, v11;
	v0 =	vld [tilespmem:s23+$0x6430]  }
0x5e: {  	v5 =	vld [tilespmem:s23+$0xFA00];
	[tilespmem:s21+$0x12C20] =	vst v1;
	v4 =	vmov v12  }
0x5f: {  	v6 =	vld [tilespmem:s23+$0xFA10];
	[tilespmem:s21+$0x12C30] =	vst v9;
	v2 =	vmov v8;
	s21 =	smov.u32 s23  }
.Ltmp3:
0x60: {  	v9 =	vld [tilespmem:s21+$0xFA20];
	v1 =	vmov v7;
	(pc) =	sbr.rel @p1 .LBB2_5-.Ltmp3, $4  }
0x61: {  	v8 =	vld [tilespmem:s21+$0xFA30]  }
0x62: {  	v7 =	vld [tilespmem:s21+$0x12C00]  }
0x63: {  	v11 =	vadd.f32 v4, v5;
	v5 =	vld [tilespmem:s21+$0x12C10]  }
0x64: {  	s22 =	sadd.s32 $0x100, s22;
	v10 =	vadd.f32 v2, v6;
	v6 =	vld [tilespmem:s21+$0x12C20]  }
0x65: {  	[tilespmem:s21+$0xFA00] =	vst v11;
	v9 =	vadd.f32 v1, v9;
	v62 =	vld [tilespmem:s21+$0x12C30]  }
0x66: {  	[tilespmem:s21+$0xFA10] =	vst v10;
	v3 =	vadd.f32 v3, v8  }
0x67: {  	[tilespmem:s21+$0xFA20] =	vst v9;
	v4 =	vadd.f32 v4, v7  }
0x68: {  	[tilespmem:s21+$0xFA30] =	vst v3;
	v2 =	vadd.f32 v2, v5  }
0x69: {  	s20 =	sor.u32 $0x2, s20;
	[tilespmem:s21+$0x12C00] =	vst v4;
	v63 =	vadd.f32 v1, v6  }
0x6a: {  	s22 =	smul.u32 $0x640, s20;
	[tilespmem:s21+$0x12C10] =	vst v2;
	v0 =	vadd.f32 v0, v62  }
0x6b: {  	[tilespmem:s21+$0x12C20] =	vst v63  }
0x6c: {  	s20 =	smul.u32 $0x3200, s20;
	s31 =	sadd.s32 s2, s22;
	[tilespmem:s21+$0x12C30] =	vst v0  }
0x6d: {  	[hbm4b:s31+s3] =	stream.linear.scatter [tilespmem:s13], [sflag:$0x3], $0x3200, $0x38;
	[tilespmem:$0x15E00] =	vst v63  }
0x6e: {  	s20 =	sshrl.u32 s20, $0x3;
	_ =	swait.ge [sflag:s9], $0x3200  }
0x6f: {  	s20 =	sadd.s32 s2, s20;
	[sflag:s9] =	ssyncset.done $0x0  }
.Ltmp4:
0x70: {  	s20 =	sadd.s32 $0x640, s20;
	[sflag:s9] =	ssyncadd.s32 $0xFFFFCE00;
	(pc) =	sbr.rel @p0 .LBB2_8-.Ltmp4, $4  }
0x71: {  	[hbm4b:s20+s3] =	stream.linear.scatter [tilespmem:s17], [sflag:$0x3], $0x3200, $0x38;
	[tilespmem:$0x15E00] =	vst v63  }
0x72: {  	_ =	swait.ge [sflag:s9], $0x3200  }
0x73: {  	[sflag:s9] =	ssyncset.done $0x0  }
0x74: {  	[sflag:s9] =	ssyncadd.s32 $0xFFFFCE00  }
0x75: {  	s20 =	smul.u32 $0xC80, s19  }
.Ltmp5:
0x76: {  	_ = 	snop;
	(pc) =	sbr.rel .LBB2_2-.Ltmp5, $4  }
0x77: {  	_ = 	snop  }
0x78: {  	s20 =	sshra.s32 s20, $0x2  }
0x79: {  	s19 =	sadd.s32 $0x1, s19;
	s20 =	sadd.s32 $0x4B0, s20  }
0x7a: {  	[tilespmem:s13], [sflag:$0x2] =	stream.indirect.gather [hbm4b:s4+s11], $0x40, s20, s11, $0xb8;
	[tilespmem:$0x15E00] =	vst v63  }
.LBB2_9:
0x7b: {  	_ =	sfence.sel $0x180000  }
0x7c: {  	[bflag:$0x0] =	sbarrier.arrive $0xFFFF  }
0x7d: {  	p0 =	sne.s32 s0, $0x0;
	_ =	strace $0x90000047  }
0x7e: {  	s0 =	sadd.s32 @!p0 $0x100000, s1;
	[bflag:$0x2] =	sbarrier.arrive $0xFFFF  }
0x7f: {  	[sflag:s0] =	ssyncadd.tile.s32 @!p0 $0x1;
	_ =	shalt  }
.Lfunc_end2:
_tile_overlayer_lowered:
.L_overlay_start_2:
0x80: {  	(tag) =	ssettag $0x2  }
0x81: {  	s0 =	rddreg [dreg:$0x0];
	s2 =	stileid.u32  }
0x82: {  	s1 =	rddreg [dreg:$0x1];
	p0 =	sne.s32 s2, $0x0  }
0x83: {  	s3 =	rddreg [dreg:$0x2];
	[bflag:$0x3] =	sbarrier.arrive $0xFFFF;
	s2 =	simm.s32 @!p0 $0x1C03  }
0x84: {  	[timem:s3], [sflag:s2] =	dma.local @!p0 [hbm:s0], s1  }
0x85: {  	s0 =	simm.s32 @!p0 $0x3  }
0x86: {  	_ =	swait.ge @!p0 [sflag:s0], s1  }
0x87: {  	s1 =	ssub.s32 @!p0 $0x0, s1;
	[sflag:s0] =	ssyncset.done @!p0 $0x0  }
0x88: {  	[sflag:s0] =	ssyncadd.s32 @!p0 s1  }
0x89: {  	[bflag:$0x3] =	sbarrier.arrive $0xFFFF  }
0x8a: {  	_ =	shalt  }

// kernel: sparse-core-data-format-call.cloned.1.call-start
scs
called_computation_lowered:
.L_overlay_start_0:
0x0: {  	s2 =	sld [smem:$0x3FD9]  }
0x1: {  	s3 =	sld [smem:$0x3FFE];
	_ =	sdelay $0x1  }
0x2: {  	s1 =	srdreg.scid  }
0x3: {  	s0 =	sand.u32 $0x1, s1  }
0x4: {  	s18 =	sshll.u32 s0, $0xA;
	s2 =	sadd.s32 s3, s2  }
0x5: {  	s2 =	sadd.s32 s2, s18  }
0x6: {  	[smem:$0x3FC5] =	sst s2  }
0x7: {  	_ = 	snop  }
0x8: {  	s2 =	sld [smem:$0x3FD0];
	(tm) =	ssettm $0x1  }
0x9: {  	s19 =	sld [smem:$0x3FFB];
	_ =	sdelay $0x3  }
0xa: {  	_ =	strace s19  }
0xb: {  	s3 =	sld [smem:$0x3FFC];
	_ =	sdelay $0x3  }
0xc: {  	_ =	strace s3  }
0xd: {  	s3 =	sld [smem:$0x3FFD];
	_ =	sdelay $0x3  }
0xe: {  	_ =	strace s3  }
0xf: {  	_ =	strace $0x8FFFFFFF  }
0x10: {  	s20 =	sld [smem:$0x3FDB];
	_ =	sdelay $0x1  }
0x11: {  	s4 =	simm.s32 $_scs_section_size  }
0x12: {  	s5 =	simm.s32 $_size__tile_overlayer_lowered;
	s6 =	simm.s32 $_tile_overlayer_lowered  }
0x13: {  	s23 =	simm.s32 $0x1BFF;
	s22 =	sshll.u32 s6, $0x1;
	s3 =	sadd.s32 s4, s20  }
0x14: {  	s7 =	simm.s32 $0x0;
	s21 =	sshll.u32 s5, $0x1;
	s5 =	sadd.s32 s22, s3  }
0x15: {  	[timem:s7], [sflag:s23] =	dma.local [hbm:s5], s21  }
0x16: {  	_ =	swait.ge [sflag:s23], s21  }
0x17: {  	s4 =	ssub.s32 $0x0, s21;
	[sflag:s23] =	ssyncset.done $0x0  }
0x18: {  	[sflag:s23] =	ssyncadd.s32 s4;
	_ =	sdelay $0x1  }
0x19: {  	s24 =	simm.s32 $0x1B8B  }
0x1a: {  	_ =	swait.ge [sflag:s24], $0x1  }
0x1b: {  	[sflag:s24] =	ssyncset.done $0x0  }
0x1c: {  	s26 =	simm.s32 $0x1B8E;
	s25 =	sld [smem:$0x3FFE];
	[sflag:s24] =	ssyncadd.s32 $0xFFFFFFFF  }
0x1d: {  	s27 =	simm.s32 $execute0_lowered;
	[smem:$0x3FD2] =	sst s26  }
0x1e: {  	s5 =	sshll.u32 s27, $0x1;
	_ =	strace $0x80000049;
	[dreg:$0x1] =	wrdreg $0xFFFFFFFF  }
0x1f: {  	s28 =	simm.s32 $_size_execute0_lowered;
	s3 =	sadd.s32 s3, s5;
	[dreg:$0x0] =	wrdreg $0x0  }
0x20: {  	s5 =	sshll.u32 s28, $0x1;
	[dreg:$0x2] =	wrdreg s3  }
0x21: {  	[dreg:$0x3] =	wrdreg s5  }
0x22: {  	[dreg:$0x4] =	wrdreg $0xC0  }
0x23: {  	_ =	task [dreg:s7], $0x5FFFF  }
0x24: {  	[dreg:$0x1] =	wrdreg $0xFFFFFFFF  }
0x25: {  	[dreg:$0x0] =	wrdreg $0x60  }
0x26: {  	[dreg:$0x2] =	wrdreg s25  }
0x27: {  	[dreg:$0x3] =	wrdreg s2  }
0x28: {  	[dreg:$0x4] =	wrdreg $0x9  }
0x29: {  	_ =	task.clear_ibuf [dreg:s7], $0x5FFFF;
	_ =	strace $0x90000049  }
0x2a: {  	s29 =	simm.s32 $0x9;
	_ =	strace $0x8000004B  }
0x2b: {  	_ =	swait.ge [sflag:s29], $0x1  }
0x2c: {  	[sflag:s29] =	ssyncadd.s32 $0xFFFFFFFF  }
0x2d: {  	_ =	strace $0x9000004B  }
0x2e: {  	_ =	sfence  }
0x2f: {  	s30 =	sld [smem:$0x0];
	_ =	sdelay $0x2  }
0x30: {  	s31 =	sshll.u32 s1, $0xD;
	s1 =	sshrl.u32 s1, $0x2  }
0x31: {  	s3 =	sand.u32 $0x4000, s31;
	s1 =	sadd.s32 s1, s30  }
0x32: {  	s0 =	sor.u32 s3, s0;
	s1 =	sshll.u32 s1, $0x11  }
0x33: {  	s0 =	sor.u32 s1, s0  }
0x34: {  	s0 =	sadd.s32 $0x8F2B, s0  }
0x35: {  	[sflag:s0] =	ssyncadd.remote.s32 $0x1  }
0x36: {  	_ =	sfence.sel $0xFFFF  }
0x37: {  	[dreg:$0x0] =	wrdreg $0xFFFFFFFF;
	(pc) =	sbr.abs _section_cstart, $3  }
0x38: {  	[dreg:$0x1] =	wrdreg $0xFFFFFFFF  }
0x39: {  	_ =	task.clear_ibuf [dreg:s7], $0x2FFFF;
	_ =	strace $0x9FFFFFFF  }
0x3a: {  	(tm) =	ssettm $0x7FFFFFFF  }
0x3b: {  	_ =	shalt  }
tec
execute0_lowered:
.L_overlay_start_1:
0x0: {  	(tag) =	ssettag $0x1  }
0x1: {  	s0 =	srdreg.scid  }
0x2: {  	s1 =	sshll.u32 s0, $0x4  }
0x3: {  	s0 =	stileid.u32;
	s1 =	sand.u32 $0x10, s1  }
0x4: {  	s1 =	sor.u32 s0, s1  }
0x5: {  	s6 =	rddreg [dreg:$0x0];
	s4 =	simm.s32 $0x1;
	s2 =	sshll.u32 s1, $0x7  }
0x6: {  	s7 =	simm.s32 $0x2;
	s12 =	simm.s32 $0x0;
	s1 =	ssub.s32 $0x1000, s2  }
0x7: {  	s8 =	simm.s32 $0x8000;
	s13 =	simm.s32 $0x0;
	s3 =	sand.u32 $0xF80, s1  }
0x8: {  	s9 =	simm.s32 $0x0;
	s5 =	sshrl.u32 s1, $0xC;
	p0 =	sne.s32 s3, $0x0  }
.Ltmp0:
0x9: {  	s1 =	rddreg [dreg:$0x2];
	s4 =	simm.s32 @!p0 $0x0;
	(pc) =	sbr.rel .LBB1_1-.Ltmp0, $4  }
0xa: {  	s11 =	simm.s32 $0x0;
	s3 =	rddreg [dreg:$0x1];
	s5 =	sadd.s32 s4, s5  }
0xb: {  	_ =	strace $0x8000004A;
	s4 =	simm.s32 $0x1;
	s5 =	smul.u32 $0xC8, s5  }
0xc: {  	s6 =	sadd.s32 $0x800, s6;
	s10 =	smov.u32 s2;
	[sflag:s4] =	ssyncpa.u1 $0x0  }
0xd: {  	p0 =	por $0x0, $0x0;
	[sflag:s7] =	ssyncpa.u1 $0x0;
	s7 =	sor.u32 $0x1, s5  }
.LBB1_4:
0xe: {  	s16 =	sshll.u32 s13, $0x3;
	s17 =	sand.u32 $0x78, s13  }
0xf: {  	s30 =	sand.u32 $0x7E00, s13;
	s12 =	sshll.u32 s12, $0xF;
	s16 =	sand.u32 $0xC00, s16  }
0x10: {  	[tilespmem:s15+$0x810 ss:$0x81] =	vst.msk $0xffff, v2;
	s31 =	sand.u32 $0x7, s13;
	s16 =	sor.u32 s17, s16;
	s17 =	sadd.s32 s3, s30  }
0x11: {  	[tilespmem:s15+$0x1020 ss:$0x81] =	vst.msk $0xffff, v0;
	s13 =	sshll.u32 s31, $0x12;
	s12 =	sadd.s32 s12, s17;
	s16 =	sshrl.u32 s16, $0x3  }
0x12: {  	[tilespmem:s15+$0x0 ss:$0x81] =	vst.msk $0xffff, v1;
	s13 =	sor.u32 $0x400, s13;
	s12 =	sadd.s32 s16, s12  }
0x13: {  	[hbm4b:s12+s13] =	stream.strided.scatter [tilespmem:s14], [sflag:$0x2], $0x2000, s8, s13, $0x20;
	[tilespmem:$0x8080] =	vst v63  }
.LBB1_5:
0x14: {  	s14 =	sadd.s32 $0x1, s9  }
0x15: {  	s12 =	sadd.s32 $0x1000, s10;
	s16 =	smov.u32 s10;
	p2 =	sgt.s32 s14, $0xC7  }
0x16: {  	s16 =	smov.u32 @p2 s12  }
0x17: {  	s14 =	simm.s32 @p2 $0x0;
	p2 =	sgt.s32 s16, $0xFFF  }
0x18: {  	s16 =	smov.u32 @p2 s2;
	p2 =	sne.s32 s11, s7  }
.Ltmp1:
0x19: {  	p1 =	slt.u32 s11, $0x2;
	(pc) =	sbr.rel @!p2 .LBB1_6-.Ltmp1, $4  }
0x1a: {  	s15 =	simm.s32 @!p1 $0x2  }
0x1b: {  	s13 =	smov.u32 s10;
	p0 =	por !p0, !p0;
	_ =	swait.ge @!p1 [sflag:s15], $0x2000  }
0x1c: {  	s12 =	smov.u32 s9;
	[sflag:s15] =	ssyncset.done @!p1 $0x0;
	s9 =	smov.u32 s14  }
0x1d: {  	s11 =	sadd.s32 $0x1, s11;
	[sflag:s15] =	ssyncadd.s32 @!p1 $0xFFFFE000;
	s10 =	smov.u32 s16  }
.LBB1_1:
0x1e: {  	p1 =	sge.u32 s11, s5  }
0x1f: {  	s14 =	sand.u32 @!p1 $0x1FFFFFF, s9  }
0x20: {  	s15 =	smulhi.u32 @!p1 $0x147AE15, s14;
	_ =	sdelay $0x1  }
0x21: {  	s15 =	smul.u32 @!p1 $0xC8, s15  }
0x22: {  	s16 =	sxor.u32 @!p1 $0xFFFFFFFF, s11;
	s17 =	smul.u32 @!p1 $0xC80, s10  }
0x23: {  	s31 =	sadd.s32 $0xFFFFFFFF, s11;
	s16 =	sshll.u32 @!p1 s16, $0xD;
	s14 =	ssub.s32 @!p1 s14, s15  }
0x24: {  	s15 =	sand.u32 @!p1 $0x2000, s16;
	s16 =	sadd.s32 @!p1 s6, s17;
	s14 =	sshll.u32 @!p1 s14, $0x4  }
0x25: {  	s17 =	simm.s32 @!p1 $0x6400;
	s14 =	sadd.s32 @!p1 s14, s16;
	s16 =	simm.s32 @!p1 $0x40  }
0x26: {  	[tilespmem:s15], [sflag:$0x1] =	stream.strided.gather @!p1 [hbm4b:s14+s16], $0x2000, s17, s16, $0x38;
	[tilespmem:$0x8080] =	vst v63  }
0x27: {  	p1 =	sge.u32 s31, s5  }
.Ltmp2:
0x28: {  	_ = 	snop;
	(pc) =	sbr.rel @p1 .LBB1_5-.Ltmp2, $1  }
0x29: {  	_ =	sdelay $0x3  }
0x2a: {  	s14 =	simm.s32 $0x1  }
0x2b: {  	_ =	swait.ge [sflag:s4], $0x2000;
	s14 =	simm.s32 @!p0 $0x0  }
0x2c: {  	[sflag:s4] =	ssyncset.done $0x0;
	s15 =	sshll.u32 s14, $0xD  }
0x2d: {  	[sflag:s4] =	ssyncadd.s32 $0xFFFFE000;
	s18 =	sor.u32 $0x20, s15  }
0x2e: {  	s14 =	smul.u32 $0x8100, s14;
	v3 =	vld [tilespmem:s18+$0x10]  }
0x2f: {  	s30 =	sand.u32 $0x1, s11;
	v2 =	vld [tilespmem:s18+$0xFFFFFFF0]  }
0x30: {  	s15 =	smul.u32 $0x8100, s30;
	s14 =	sshrl.u32 s14, $0x2;
	v0 =	vld [tilespmem:s18+$0x0]  }
0x31: {  	v1 =	vld [tilespmem:s18+$0xFFFFFFE0];
	s16 =	sor.u32 $0x4000, s14  }
0x32: {  	s31 =	sshrl.u32 s15, $0x2;
	s15 =	sadd.s32 $0x0, s16  }
0x33: {  	s17 =	simm.s32 $0x4;
	s18 =	sadd.s32 $0x40, s18;
	s14 =	sor.u32 $0x4000, s31;
	[tilespmem:s15+$0x1830 ss:$0x81] =	vst.msk $0xffff, v3  }
.LBB1_3:
0x34: {  	v3 =	vld [tilespmem:s18+$0x10];
	p1 =	sne.s32 s17, $0x1FC;
	[tilespmem:s15+$0x810 ss:$0x81] =	vst.msk $0xffff, v2;
	s19 =	smov.u32 s17;
	s17 =	sadd.s32 $0x4, s17  }
.Ltmp3:
0x35: {  	v2 =	vld [tilespmem:s18+$0xFFFFFFF0];
	[tilespmem:s15+$0x1020 ss:$0x81] =	vst.msk $0xffff, v0;
	(pc) =	sbr.rel @p1 .LBB1_3-.Ltmp3, $4  }
0x36: {  	v0 =	vld [tilespmem:s18+$0x0];
	[tilespmem:s15+$0x0 ss:$0x81] =	vst.msk $0xffff, v1  }
0x37: {  	s15 =	sshra.s32 s19, $0x2;
	v1 =	vld [tilespmem:s18+$0xFFFFFFE0]  }
0x38: {  	s15 =	sadd.s32 s15, s16  }
0x39: {  	s18 =	sadd.s32 $0x40, s18;
	[tilespmem:s15+$0x1830 ss:$0x81] =	vst.msk $0xffff, v3  }
.Ltmp4:
0x3a: {  	_ = 	snop;
	(pc) =	sbr.rel .LBB1_4-.Ltmp4, $1  }
0x3b: {  	_ =	sdelay $0x3  }
.LBB1_6:
0x3c: {  	_ =	sfence.sel $0x180000  }
0x3d: {  	s2 =	simm.s32 $0x1;
	[bflag:$0x0] =	sbarrier.arrive $0xFFFF  }
0x3e: {  	s31 =	simm.s32 $0x2;
	[sflag:s2] =	ssyncpa.u1 $0x1  }
0x3f: {  	[sflag:s31] =	ssyncpa.u1 $0x1  }
0x40: {  	p0 =	sne.s32 s0, $0x0;
	_ =	strace $0x9000004A  }
0x41: {  	s0 =	sadd.s32 @!p0 $0x100000, s1;
	[bflag:$0x2] =	sbarrier.arrive $0xFFFF  }
0x42: {  	[sflag:s0] =	ssyncadd.tile.s32 @!p0 $0x1;
	_ =	shalt  }
.Lfunc_end1:
_tile_overlayer_lowered:
.L_overlay_start_2:
0x43: {  	(tag) =	ssettag $0x2  }
0x44: {  	s0 =	rddreg [dreg:$0x0];
	s2 =	stileid.u32  }
0x45: {  	s1 =	rddreg [dreg:$0x1];
	p0 =	sne.s32 s2, $0x0  }
0x46: {  	s3 =	rddreg [dreg:$0x2];
	[bflag:$0x3] =	sbarrier.arrive $0xFFFF;
	s2 =	simm.s32 @!p0 $0x1C01  }
0x47: {  	[timem:s3], [sflag:s2] =	dma.local @!p0 [hbm:s0], s1  }
0x48: {  	s0 =	simm.s32 @!p0 $0x1  }
0x49: {  	_ =	swait.ge @!p0 [sflag:s0], s1  }
0x4a: {  	s1 =	ssub.s32 @!p0 $0x0, s1;
	[sflag:s0] =	ssyncset.done @!p0 $0x0  }
0x4b: {  	[sflag:s0] =	ssyncadd.s32 @!p0 s1  }
0x4c: {  	[bflag:$0x3] =	sbarrier.arrive $0xFFFF  }
0x4d: {  	_ =	shalt  }

</sc_bundles>
